<compile_context>
chip_gen: v7x
topology: tpu7x:2x2x1
jax: 0.10.2.dev20260603
libtpu: 0.0.44.dev20260713+nightly
codegen_flags: <defaults>
</compile_context>

<pallas_src>
import functools

import jax
import jax.numpy as jnp
from jax import lax
from jax.experimental import pallas as pl
from jax.experimental.pallas import tpu as pltpu
from jax.experimental.pallas import tpu_sc as plsc

N = 10000
E = 320000
D = 128

NC = 2
NS = 16
NW = NC * NS

CHUNK = 128
NCHUNKS = E // CHUNK

CW = 128
NPAD = 10240
ROWS_PER_TILE_PAD = NPAD // NS
RCHUNKS = ROWS_PER_TILE_PAD // CHUNK

_mesh = plsc.VectorSubcoreMesh(core_axis_name="c", subcore_axis_name="s")


def _worker_chunk_range(wid):
    base = NCHUNKS // NW
    rem = NCHUNKS % NW
    start = wid * base + jnp.minimum(wid, rem)
    cnt = base + jnp.where(wid < rem, 1, 0)
    return start, start + cnt


def _make_hist(cw):
  @functools.partial(
      pl.kernel,
      out_type=jax.ShapeDtypeStruct((NC, NPAD, cw), jnp.float32),
      mesh=_mesh,
      scratch_types=[
          pltpu.VMEM((CHUNK,), jnp.int32),
          pltpu.VMEM((CHUNK, cw), jnp.float32),
          pltpu.VMEM((CHUNK, cw), jnp.float32),
          pltpu.VMEM_SHARED((NPAD, cw), jnp.float32),
      ],
  )
  def _sc_hist(edge_hbm, zc_hbm, ones_hbm, ar_hbm, cnt_hbm, idx_v, ones_v, row_v, cnt_sh):
      c = lax.axis_index("c")
      s = lax.axis_index("s")
      wid = c * NS + s

      pltpu.sync_copy(zc_hbm, row_v)
      pltpu.sync_copy(ones_hbm, ones_v)

      for k in range(RCHUNKS):
          pltpu.sync_copy(ar_hbm.at[pl.ds(s * ROWS_PER_TILE_PAD + k * CHUNK, CHUNK)], idx_v)
          pltpu.sync_copy(row_v, cnt_sh.at[idx_v])

      plsc.subcore_barrier()

      start, end = _worker_chunk_range(wid)

      def body(ch, carry):
          pltpu.sync_copy(edge_hbm.at[1, pl.ds(ch * CHUNK, CHUNK)], idx_v)
          pltpu.sync_copy(ones_v, cnt_sh.at[idx_v], add=True)
          return carry

      lax.fori_loop(start, end, body, None)
      plsc.subcore_barrier()

      for k in range(RCHUNKS):
          r0 = s * ROWS_PER_TILE_PAD + k * CHUNK
          pltpu.sync_copy(ar_hbm.at[pl.ds(r0, CHUNK)], idx_v)
          pltpu.sync_copy(cnt_sh.at[idx_v], row_v)
          pltpu.sync_copy(row_v, cnt_hbm.at[c, pl.ds(r0, CHUNK), :])
  return _sc_hist


_sc_hist = _make_hist(CW)


@functools.partial(
    pl.kernel,
    out_type=jax.ShapeDtypeStruct((NC, NPAD, D), jnp.float32),
    mesh=_mesh,
    scratch_types=[
        pltpu.VMEM((CHUNK,), jnp.int32),
        pltpu.VMEM((CHUNK,), jnp.int32),
        pltpu.VMEM((CHUNK,), jnp.int32),
        pltpu.VMEM((CHUNK,), jnp.int32),
        pltpu.VMEM((CHUNK, D), jnp.float32),
        pltpu.VMEM((CHUNK, D), jnp.float32),
        pltpu.VMEM_SHARED((NPAD, D), jnp.float32),
        pltpu.SemaphoreType.DMA,
        pltpu.SemaphoreType.DMA,
    ],
)
def _sc_scatter(hp_hbm, edge_hbm, za_hbm, ar_hbm, acc_hbm,
                idx_s, idx_d, idx_s2, idx_d2, rows_v, rows2_v, acc_sh,
                sem, sem2):
    c = lax.axis_index("c")
    s = lax.axis_index("s")
    wid = c * NS + s

    pltpu.sync_copy(za_hbm, rows_v)

    for k in range(RCHUNKS):
        pltpu.sync_copy(ar_hbm.at[pl.ds(s * ROWS_PER_TILE_PAD + k * CHUNK, CHUNK)], idx_d)
        pltpu.sync_copy(rows_v, acc_sh.at[idx_d])

    plsc.subcore_barrier()

    start, end = _worker_chunk_range(wid)
    npairs = (end - start) // 2

    def body(j, carry):
        base0 = (start + 2 * j) * CHUNK
        base1 = base0 + CHUNK
        pltpu.sync_copy(edge_hbm.at[0, pl.ds(base0, CHUNK)], idx_s)
        pltpu.sync_copy(edge_hbm.at[1, pl.ds(base0, CHUNK)], idx_d)
        g0 = pltpu.async_copy(hp_hbm.at[idx_s], rows_v, sem)
        pltpu.sync_copy(edge_hbm.at[0, pl.ds(base1, CHUNK)], idx_s2)
        pltpu.sync_copy(edge_hbm.at[1, pl.ds(base1, CHUNK)], idx_d2)
        g1 = pltpu.async_copy(hp_hbm.at[idx_s2], rows2_v, sem2)
        g0.wait()
        pltpu.sync_copy(rows_v, acc_sh.at[idx_d], add=True)
        g1.wait()
        pltpu.sync_copy(rows2_v, acc_sh.at[idx_d2], add=True)
        return carry

    lax.fori_loop(0, npairs, body, None)

    @pl.when(end - start > 2 * npairs)
    def _():
        base = (end - 1) * CHUNK
        pltpu.sync_copy(edge_hbm.at[0, pl.ds(base, CHUNK)], idx_s)
        pltpu.sync_copy(edge_hbm.at[1, pl.ds(base, CHUNK)], idx_d)
        pltpu.async_copy(hp_hbm.at[idx_s], rows_v, sem).wait()
        pltpu.sync_copy(rows_v, acc_sh.at[idx_d], add=True)

    plsc.subcore_barrier()

    for k in range(RCHUNKS):
        r0 = s * ROWS_PER_TILE_PAD + k * CHUNK
        pltpu.sync_copy(ar_hbm.at[pl.ds(r0, CHUNK)], idx_d)
        pltpu.sync_copy(acc_sh.at[idx_d], rows_v)
        pltpu.sync_copy(rows_v, acc_hbm.at[c, pl.ds(r0, CHUNK), :])


def _block_dinv(cnt_ref):
    deg = cnt_ref[0, :, 0:1] + cnt_ref[1, :, 0:1] + 1.0
    return lax.rsqrt(deg)


def _tc_prescale_body(x_ref, w_ref, cnt_ref, hp_ref):
    dinv = _block_dinv(cnt_ref)
    h = jnp.dot(x_ref[...], w_ref[...], preferred_element_type=jnp.float32)
    hp_ref[...] = h * dinv


def _tc_combine_body(acc_ref, hp_ref, cnt_ref, pos_ref, pew_ref, bias_ref, out_ref):
    dinv = _block_dinv(cnt_ref)
    pe = jnp.dot(pos_ref[...], pew_ref[...], preferred_element_type=jnp.float32)
    out_ref[...] = dinv * (acc_ref[0] + acc_ref[1] + hp_ref[...]) + pe + bias_ref[...]


def kernel(x, edge_index, pos_encoding, W, b, pe_W, pe_b):
    zc = jnp.zeros((CHUNK, CW), jnp.float32)
    za = jnp.zeros((CHUNK, D), jnp.float32)
    ones = jnp.ones((CHUNK, CW), jnp.float32)
    ar = jnp.arange(NPAD, dtype=jnp.int32)

    cnt = _sc_hist(edge_index, zc, ones, ar)
    RB = 1000
    grid = N // RB

    hp = pl.pallas_call(
        _tc_prescale_body,
        grid=(grid,),
        in_specs=[
            pl.BlockSpec((RB, D), lambda i: (i, 0)),
            pl.BlockSpec((D, D), lambda i: (0, 0)),
            pl.BlockSpec((NC, RB, CW), lambda i: (0, i, 0)),
        ],
        out_specs=pl.BlockSpec((RB, D), lambda i: (i, 0)),
        out_shape=jax.ShapeDtypeStruct((N, D), jnp.float32),
    )(x, W, cnt)

    acc = _sc_scatter(hp, edge_index, za, ar)

    bias = (b + pe_b).reshape(1, D)
    out = pl.pallas_call(
        _tc_combine_body,
        grid=(grid,),
        in_specs=[
            pl.BlockSpec((NC, RB, D), lambda i: (0, i, 0)),
            pl.BlockSpec((RB, D), lambda i: (i, 0)),
            pl.BlockSpec((NC, RB, CW), lambda i: (0, i, 0)),
            pl.BlockSpec((RB, D), lambda i: (i, 0)),
            pl.BlockSpec((D, D), lambda i: (0, 0)),
            pl.BlockSpec((1, D), lambda i: (0, 0)),
        ],
        out_specs=pl.BlockSpec((RB, D), lambda i: (i, 0)),
        out_shape=jax.ShapeDtypeStruct((N, D), jnp.float32),
    )(acc, hp, cnt, pos_encoding, pe_W, bias)

    return out

# --- scband reference (transcript-rebuilt; emitter-appended) ---
"""Pipeline reference for scband-gpslayer-36558761624223 (READ-ONLY COPY).

The authoritative reference and input builder live on the scoring server;
editing this copy changes nothing except your own understanding.
"""

import jax, jax.numpy as jnp
import numpy as np

N = 10000
E = 320000
D_IN = 128
D_OUT = 128


def setup_inputs(seed: int = 0) -> dict:
    key = jax.random.key(seed)
    ks = jax.random.split(key, 8)
    x = jax.random.normal(ks[0], (N, D_IN), dtype=jnp.float32)
    edge_index = jax.random.randint(ks[1], (2, E), 0, N, dtype=jnp.int32)
    pos_encoding = jax.random.normal(ks[2], (N, D_IN), dtype=jnp.float32)
    # GCNConv parameters (weight [in, out] so we use x @ W, plus bias)
    W = jax.random.normal(ks[3], (D_IN, D_OUT), dtype=jnp.float32) * (1.0 / np.sqrt(D_IN))
    b = jnp.zeros((D_OUT,), dtype=jnp.float32)
    # positional_encoding Linear parameters
    pe_W = jax.random.normal(ks[4], (D_IN, D_OUT), dtype=jnp.float32) * (1.0 / np.sqrt(D_IN))
    pe_b = jnp.zeros((D_OUT,), dtype=jnp.float32)
    return {"x": x, "edge_index": edge_index, "pos_encoding": pos_encoding,
            "W": W, "b": b, "pe_W": pe_W, "pe_b": pe_b}


def _gcn_conv(x, edge_index, W, b):
    num_nodes = x.shape[0]
    src = edge_index[0]
    dst = edge_index[1]
    # add self-loops (PyG GCNConv default add_self_loops=True)
    loop = jnp.arange(num_nodes, dtype=src.dtype)
    src = jnp.concatenate([src, loop], axis=0)
    dst = jnp.concatenate([dst, loop], axis=0)
    edge_weight = jnp.ones(src.shape[0], dtype=x.dtype)
    # symmetric normalization: deg over dst (col)
    deg = jnp.zeros((num_nodes,), dtype=x.dtype).at[dst].add(edge_weight)
    deg_inv_sqrt = jnp.where(deg > 0, deg ** -0.5, 0.0)
    norm = deg_inv_sqrt[src] * deg_inv_sqrt[dst] * edge_weight
    # linear transform then propagate
    h = x @ W
    msg = h[src] * norm[:, None]
    out = jnp.zeros((num_nodes, W.shape[1]), dtype=x.dtype).at[dst].add(msg)
    return out + b


def reference(x, edge_index, pos_encoding, W, b, pe_W, pe_b):
    conv_out = _gcn_conv(x, edge_index, W, b)
    pos = pos_encoding @ pe_W + pe_b
    return conv_out + pos

if __name__ == "__main__":
    import jax
    _d = setup_inputs()
    print(jax.jit(kernel)(*tuple(_d.values())))

</pallas_src>

<mosaic_0001>
#map = affine_map<(d0, d1) -> (0, 0)>
#map1 = affine_map<(d0, d1) -> (0)>
#map2 = affine_map<(d0, d1) -> (0, 0, 0)>
module attributes {stable_mosaic.version = 14 : i64} {
  func.func @_sc_hist(%arg0: i32, %arg1: i32, %arg2: memref<2x320000xi32, #tpu.memory_space<hbm>>, %arg3: memref<128x128xf32, #tpu.memory_space<hbm>>, %arg4: memref<128x128xf32, #tpu.memory_space<hbm>>, %arg5: memref<10240xi32, #tpu.memory_space<hbm>>, %arg6: memref<2x10240x128xf32, #tpu.memory_space<hbm>>, %arg7: memref<128xi32, #tpu.memory_space<vmem>>, %arg8: memref<128x128xf32, #tpu.memory_space<vmem>>, %arg9: memref<128x128xf32, #tpu.memory_space<vmem>>, %arg10: memref<10240x128xf32, #tpu.memory_space<vmem_shared>>) attributes {dimension_semantics = [#tpu.dimension_semantics<core_parallel>, #tpu.dimension_semantics<subcore_parallel>], iteration_bounds = array<i64: 2, 16>, scalar_prefetch = 0 : i64, scratch_operands = 4 : i64, tpu.core_type = #tpu.core_type<sc_vector_subcore>, window_params = [{transform_indices = #map}, {transform_indices = #map}, {transform_indices = #map}, {transform_indices = #map1}, {transform_indices = #map2}]} {
    %mul3A = arith.constant 16 : i32
    %mul3A_0 = arith.muli %arg0, %mul3A : i32
    %add3A = arith.addi %mul3A_0, %arg1 : i32
    "tpu.region"() ({
      %run_scoped3A = tpu.sem_alloc : memref<!tpu.dma_semaphore, #tpu.memory_space<semaphore_mem>>
      tpu.enqueue_dma source(%arg3 : memref<128x128xf32, #tpu.memory_space<hbm>>) target(%arg9 : memref<128x128xf32, #tpu.memory_space<vmem>>) target_semaphore(%run_scoped3A : memref<!tpu.dma_semaphore, #tpu.memory_space<semaphore_mem>>)
      tpu.wait_dma2 semaphore(%run_scoped3A : memref<!tpu.dma_semaphore, #tpu.memory_space<semaphore_mem>>) src(%arg3 : memref<128x128xf32, #tpu.memory_space<hbm>>) dst(%arg9 : memref<128x128xf32, #tpu.memory_space<vmem>>)
      tpu.yield
    }) : () -> ()
    "tpu.region"() ({
      %run_scoped3A = tpu.sem_alloc : memref<!tpu.dma_semaphore, #tpu.memory_space<semaphore_mem>>
      tpu.enqueue_dma source(%arg4 : memref<128x128xf32, #tpu.memory_space<hbm>>) target(%arg8 : memref<128x128xf32, #tpu.memory_space<vmem>>) target_semaphore(%run_scoped3A : memref<!tpu.dma_semaphore, #tpu.memory_space<semaphore_mem>>)
      tpu.wait_dma2 semaphore(%run_scoped3A : memref<!tpu.dma_semaphore, #tpu.memory_space<semaphore_mem>>) src(%arg4 : memref<128x128xf32, #tpu.memory_space<hbm>>) dst(%arg8 : memref<128x128xf32, #tpu.memory_space<vmem>>)
      tpu.yield
    }) : () -> ()
    %mul3A_1 = arith.constant 640 : i32
    %mul3A_2 = arith.muli %arg1, %mul3A_1 : i32
    %add3A_3 = arith.constant 0 : i32
    %add3A_4 = arith.addi %mul3A_2, %add3A_3 : i32
    "tpu.region"() ({
      %run_scoped3A = tpu.sem_alloc : memref<!tpu.dma_semaphore, #tpu.memory_space<semaphore_mem>>
      %dma_start3A = tpu.memref_slice %arg5[%add3A_4] : memref<10240xi32, #tpu.memory_space<hbm>> -> memref<128xi32, #tpu.memory_space<hbm>>
      %dma_start3A_58 = tpu.memref_slice %arg5[%add3A_4] : memref<10240xi32, #tpu.memory_space<hbm>> -> memref<128xi32, #tpu.memory_space<hbm>>
      tpu.enqueue_dma source(%dma_start3A_58 : memref<128xi32, #tpu.memory_space<hbm>>) target(%arg7 : memref<128xi32, #tpu.memory_space<vmem>>) target_semaphore(%run_scoped3A : memref<!tpu.dma_semaphore, #tpu.memory_space<semaphore_mem>>)
      %dma_wait3A = tpu.memref_slice %arg5[%add3A_4] : memref<10240xi32, #tpu.memory_space<hbm>> -> memref<128xi32, #tpu.memory_space<hbm>>
      %dma_wait3A_59 = tpu.memref_slice %arg5[%add3A_4] : memref<10240xi32, #tpu.memory_space<hbm>> -> memref<128xi32, #tpu.memory_space<hbm>>
      tpu.wait_dma2 semaphore(%run_scoped3A : memref<!tpu.dma_semaphore, #tpu.memory_space<semaphore_mem>>) src(%dma_wait3A_59 : memref<128xi32, #tpu.memory_space<hbm>>) dst(%arg7 : memref<128xi32, #tpu.memory_space<vmem>>)
      tpu.yield
    }) : () -> ()
    "tpu.region"() ({
      %run_scoped3A = tpu.sem_alloc : memref<!tpu.dma_semaphore, #tpu.memory_space<semaphore_mem>>
      %dma_start3A = arith.constant 0 : i32
      %dma_start3A_58 = arith.constant 0 : i32
      %dma_start3A_59 = tpu.memref_slice %arg10[%dma_start3A, %dma_start3A_58] : memref<10240x128xf32, #tpu.memory_space<vmem_shared>> -> memref<10240x128xf32, #tpu.memory_space<vmem_shared>>
      tpu.enqueue_indirect_dma source(%arg9 : memref<128x128xf32, #tpu.memory_space<vmem>>) target(%dma_start3A_59 : memref<10240x128xf32, #tpu.memory_space<vmem_shared>>) offsets(%arg7 : memref<128xi32, #tpu.memory_space<vmem>>) semaphore(%run_scoped3A : memref<!tpu.dma_semaphore, #tpu.memory_space<semaphore_mem>>)
      %dma_wait3A = arith.constant 0 : i32
      %dma_wait3A_60 = arith.constant 0 : i32
      %dma_wait3A_61 = tpu.memref_slice %arg10[%dma_wait3A, %dma_wait3A_60] : memref<10240x128xf32, #tpu.memory_space<vmem_shared>> -> memref<10240x128xf32, #tpu.memory_space<vmem_shared>>
      tpu.wait_indirect_dma semaphore(%run_scoped3A : memref<!tpu.dma_semaphore, #tpu.memory_space<semaphore_mem>>) src(%arg9 : memref<128x128xf32, #tpu.memory_space<vmem>>) dst(%dma_wait3A_61 : memref<10240x128xf32, #tpu.memory_space<vmem_shared>>)
      tpu.yield
    }) : () -> ()
    %mul3A_5 = arith.constant 640 : i32
    %mul3A_6 = arith.muli %arg1, %mul3A_5 : i32
    %add3A_7 = arith.constant 128 : i32
    %add3A_8 = arith.addi %mul3A_6, %add3A_7 : i32
    "tpu.region"() ({
      %run_scoped3A = tpu.sem_alloc : memref<!tpu.dma_semaphore, #tpu.memory_space<semaphore_mem>>
      %dma_start3A = tpu.memref_slice %arg5[%add3A_8] : memref<10240xi32, #tpu.memory_space<hbm>> -> memref<128xi32, #tpu.memory_space<hbm>>
      %dma_start3A_58 = tpu.memref_slice %arg5[%add3A_8] : memref<10240xi32, #tpu.memory_space<hbm>> -> memref<128xi32, #tpu.memory_space<hbm>>
      tpu.enqueue_dma source(%dma_start3A_58 : memref<128xi32, #tpu.memory_space<hbm>>) target(%arg7 : memref<128xi32, #tpu.memory_space<vmem>>) target_semaphore(%run_scoped3A : memref<!tpu.dma_semaphore, #tpu.memory_space<semaphore_mem>>)
      %dma_wait3A = tpu.memref_slice %arg5[%add3A_8] : memref<10240xi32, #tpu.memory_space<hbm>> -> memref<128xi32, #tpu.memory_space<hbm>>
      %dma_wait3A_59 = tpu.memref_slice %arg5[%add3A_8] : memref<10240xi32, #tpu.memory_space<hbm>> -> memref<128xi32, #tpu.memory_space<hbm>>
      tpu.wait_dma2 semaphore(%run_scoped3A : memref<!tpu.dma_semaphore, #tpu.memory_space<semaphore_mem>>) src(%dma_wait3A_59 : memref<128xi32, #tpu.memory_space<hbm>>) dst(%arg7 : memref<128xi32, #tpu.memory_space<vmem>>)
      tpu.yield
    }) : () -> ()
    "tpu.region"() ({
      %run_scoped3A = tpu.sem_alloc : memref<!tpu.dma_semaphore, #tpu.memory_space<semaphore_mem>>
      %dma_start3A = arith.constant 0 : i32
      %dma_start3A_58 = arith.constant 0 : i32
      %dma_start3A_59 = tpu.memref_slice %arg10[%dma_start3A, %dma_start3A_58] : memref<10240x128xf32, #tpu.memory_space<vmem_shared>> -> memref<10240x128xf32, #tpu.memory_space<vmem_shared>>
      tpu.enqueue_indirect_dma source(%arg9 : memref<128x128xf32, #tpu.memory_space<vmem>>) target(%dma_start3A_59 : memref<10240x128xf32, #tpu.memory_space<vmem_shared>>) offsets(%arg7 : memref<128xi32, #tpu.memory_space<vmem>>) semaphore(%run_scoped3A : memref<!tpu.dma_semaphore, #tpu.memory_space<semaphore_mem>>)
      %dma_wait3A = arith.constant 0 : i32
      %dma_wait3A_60 = arith.constant 0 : i32
      %dma_wait3A_61 = tpu.memref_slice %arg10[%dma_wait3A, %dma_wait3A_60] : memref<10240x128xf32, #tpu.memory_space<vmem_shared>> -> memref<10240x128xf32, #tpu.memory_space<vmem_shared>>
      tpu.wait_indirect_dma semaphore(%run_scoped3A : memref<!tpu.dma_semaphore, #tpu.memory_space<semaphore_mem>>) src(%arg9 : memref<128x128xf32, #tpu.memory_space<vmem>>) dst(%dma_wait3A_61 : memref<10240x128xf32, #tpu.memory_space<vmem_shared>>)
      tpu.yield
    }) : () -> ()
    %mul3A_9 = arith.constant 640 : i32
    %mul3A_10 = arith.muli %arg1, %mul3A_9 : i32
    %add3A_11 = arith.constant 256 : i32
    %add3A_12 = arith.addi %mul3A_10, %add3A_11 : i32
    "tpu.region"() ({
      %run_scoped3A = tpu.sem_alloc : memref<!tpu.dma_semaphore, #tpu.memory_space<semaphore_mem>>
      %dma_start3A = tpu.memref_slice %arg5[%add3A_12] : memref<10240xi32, #tpu.memory_space<hbm>> -> memref<128xi32, #tpu.memory_space<hbm>>
      %dma_start3A_58 = tpu.memref_slice %arg5[%add3A_12] : memref<10240xi32, #tpu.memory_space<hbm>> -> memref<128xi32, #tpu.memory_space<hbm>>
      tpu.enqueue_dma source(%dma_start3A_58 : memref<128xi32, #tpu.memory_space<hbm>>) target(%arg7 : memref<128xi32, #tpu.memory_space<vmem>>) target_semaphore(%run_scoped3A : memref<!tpu.dma_semaphore, #tpu.memory_space<semaphore_mem>>)
      %dma_wait3A = tpu.memref_slice %arg5[%add3A_12] : memref<10240xi32, #tpu.memory_space<hbm>> -> memref<128xi32, #tpu.memory_space<hbm>>
      %dma_wait3A_59 = tpu.memref_slice %arg5[%add3A_12] : memref<10240xi32, #tpu.memory_space<hbm>> -> memref<128xi32, #tpu.memory_space<hbm>>
      tpu.wait_dma2 semaphore(%run_scoped3A : memref<!tpu.dma_semaphore, #tpu.memory_space<semaphore_mem>>) src(%dma_wait3A_59 : memref<128xi32, #tpu.memory_space<hbm>>) dst(%arg7 : memref<128xi32, #tpu.memory_space<vmem>>)
      tpu.yield
    }) : () -> ()
    "tpu.region"() ({
      %run_scoped3A = tpu.sem_alloc : memref<!tpu.dma_semaphore, #tpu.memory_space<semaphore_mem>>
      %dma_start3A = arith.constant 0 : i32
      %dma_start3A_58 = arith.constant 0 : i32
      %dma_start3A_59 = tpu.memref_slice %arg10[%dma_start3A, %dma_start3A_58] : memref<10240x128xf32, #tpu.memory_space<vmem_shared>> -> memref<10240x128xf32, #tpu.memory_space<vmem_shared>>
      tpu.enqueue_indirect_dma source(%arg9 : memref<128x128xf32, #tpu.memory_space<vmem>>) target(%dma_start3A_59 : memref<10240x128xf32, #tpu.memory_space<vmem_shared>>) offsets(%arg7 : memref<128xi32, #tpu.memory_space<vmem>>) semaphore(%run_scoped3A : memref<!tpu.dma_semaphore, #tpu.memory_space<semaphore_mem>>)
      %dma_wait3A = arith.constant 0 : i32
      %dma_wait3A_60 = arith.constant 0 : i32
      %dma_wait3A_61 = tpu.memref_slice %arg10[%dma_wait3A, %dma_wait3A_60] : memref<10240x128xf32, #tpu.memory_space<vmem_shared>> -> memref<10240x128xf32, #tpu.memory_space<vmem_shared>>
      tpu.wait_indirect_dma semaphore(%run_scoped3A : memref<!tpu.dma_semaphore, #tpu.memory_space<semaphore_mem>>) src(%arg9 : memref<128x128xf32, #tpu.memory_space<vmem>>) dst(%dma_wait3A_61 : memref<10240x128xf32, #tpu.memory_space<vmem_shared>>)
      tpu.yield
    }) : () -> ()
    %mul3A_13 = arith.constant 640 : i32
    %mul3A_14 = arith.muli %arg1, %mul3A_13 : i32
    %add3A_15 = arith.constant 384 : i32
    %add3A_16 = arith.addi %mul3A_14, %add3A_15 : i32
    "tpu.region"() ({
      %run_scoped3A = tpu.sem_alloc : memref<!tpu.dma_semaphore, #tpu.memory_space<semaphore_mem>>
      %dma_start3A = tpu.memref_slice %arg5[%add3A_16] : memref<10240xi32, #tpu.memory_space<hbm>> -> memref<128xi32, #tpu.memory_space<hbm>>
      %dma_start3A_58 = tpu.memref_slice %arg5[%add3A_16] : memref<10240xi32, #tpu.memory_space<hbm>> -> memref<128xi32, #tpu.memory_space<hbm>>
      tpu.enqueue_dma source(%dma_start3A_58 : memref<128xi32, #tpu.memory_space<hbm>>) target(%arg7 : memref<128xi32, #tpu.memory_space<vmem>>) target_semaphore(%run_scoped3A : memref<!tpu.dma_semaphore, #tpu.memory_space<semaphore_mem>>)
      %dma_wait3A = tpu.memref_slice %arg5[%add3A_16] : memref<10240xi32, #tpu.memory_space<hbm>> -> memref<128xi32, #tpu.memory_space<hbm>>
      %dma_wait3A_59 = tpu.memref_slice %arg5[%add3A_16] : memref<10240xi32, #tpu.memory_space<hbm>> -> memref<128xi32, #tpu.memory_space<hbm>>
      tpu.wait_dma2 semaphore(%run_scoped3A : memref<!tpu.dma_semaphore, #tpu.memory_space<semaphore_mem>>) src(%dma_wait3A_59 : memref<128xi32, #tpu.memory_space<hbm>>) dst(%arg7 : memref<128xi32, #tpu.memory_space<vmem>>)
      tpu.yield
    }) : () -> ()
    "tpu.region"() ({
      %run_scoped3A = tpu.sem_alloc : memref<!tpu.dma_semaphore, #tpu.memory_space<semaphore_mem>>
      %dma_start3A = arith.constant 0 : i32
      %dma_start3A_58 = arith.constant 0 : i32
      %dma_start3A_59 = tpu.memref_slice %arg10[%dma_start3A, %dma_start3A_58] : memref<10240x128xf32, #tpu.memory_space<vmem_shared>> -> memref<10240x128xf32, #tpu.memory_space<vmem_shared>>
      tpu.enqueue_indirect_dma source(%arg9 : memref<128x128xf32, #tpu.memory_space<vmem>>) target(%dma_start3A_59 : memref<10240x128xf32, #tpu.memory_space<vmem_shared>>) offsets(%arg7 : memref<128xi32, #tpu.memory_space<vmem>>) semaphore(%run_scoped3A : memref<!tpu.dma_semaphore, #tpu.memory_space<semaphore_mem>>)
      %dma_wait3A = arith.constant 0 : i32
      %dma_wait3A_60 = arith.constant 0 : i32
      %dma_wait3A_61 = tpu.memref_slice %arg10[%dma_wait3A, %dma_wait3A_60] : memref<10240x128xf32, #tpu.memory_space<vmem_shared>> -> memref<10240x128xf32, #tpu.memory_space<vmem_shared>>
      tpu.wait_indirect_dma semaphore(%run_scoped3A : memref<!tpu.dma_semaphore, #tpu.memory_space<semaphore_mem>>) src(%arg9 : memref<128x128xf32, #tpu.memory_space<vmem>>) dst(%dma_wait3A_61 : memref<10240x128xf32, #tpu.memory_space<vmem_shared>>)
      tpu.yield
    }) : () -> ()
    %mul3A_17 = arith.constant 640 : i32
    %mul3A_18 = arith.muli %arg1, %mul3A_17 : i32
    %add3A_19 = arith.constant 512 : i32
    %add3A_20 = arith.addi %mul3A_18, %add3A_19 : i32
    "tpu.region"() ({
      %run_scoped3A = tpu.sem_alloc : memref<!tpu.dma_semaphore, #tpu.memory_space<semaphore_mem>>
      %dma_start3A = tpu.memref_slice %arg5[%add3A_20] : memref<10240xi32, #tpu.memory_space<hbm>> -> memref<128xi32, #tpu.memory_space<hbm>>
      %dma_start3A_58 = tpu.memref_slice %arg5[%add3A_20] : memref<10240xi32, #tpu.memory_space<hbm>> -> memref<128xi32, #tpu.memory_space<hbm>>
      tpu.enqueue_dma source(%dma_start3A_58 : memref<128xi32, #tpu.memory_space<hbm>>) target(%arg7 : memref<128xi32, #tpu.memory_space<vmem>>) target_semaphore(%run_scoped3A : memref<!tpu.dma_semaphore, #tpu.memory_space<semaphore_mem>>)
      %dma_wait3A = tpu.memref_slice %arg5[%add3A_20] : memref<10240xi32, #tpu.memory_space<hbm>> -> memref<128xi32, #tpu.memory_space<hbm>>
      %dma_wait3A_59 = tpu.memref_slice %arg5[%add3A_20] : memref<10240xi32, #tpu.memory_space<hbm>> -> memref<128xi32, #tpu.memory_space<hbm>>
      tpu.wait_dma2 semaphore(%run_scoped3A : memref<!tpu.dma_semaphore, #tpu.memory_space<semaphore_mem>>) src(%dma_wait3A_59 : memref<128xi32, #tpu.memory_space<hbm>>) dst(%arg7 : memref<128xi32, #tpu.memory_space<vmem>>)
      tpu.yield
    }) : () -> ()
    "tpu.region"() ({
      %run_scoped3A = tpu.sem_alloc : memref<!tpu.dma_semaphore, #tpu.memory_space<semaphore_mem>>
      %dma_start3A = arith.constant 0 : i32
      %dma_start3A_58 = arith.constant 0 : i32
      %dma_start3A_59 = tpu.memref_slice %arg10[%dma_start3A, %dma_start3A_58] : memref<10240x128xf32, #tpu.memory_space<vmem_shared>> -> memref<10240x128xf32, #tpu.memory_space<vmem_shared>>
      tpu.enqueue_indirect_dma source(%arg9 : memref<128x128xf32, #tpu.memory_space<vmem>>) target(%dma_start3A_59 : memref<10240x128xf32, #tpu.memory_space<vmem_shared>>) offsets(%arg7 : memref<128xi32, #tpu.memory_space<vmem>>) semaphore(%run_scoped3A : memref<!tpu.dma_semaphore, #tpu.memory_space<semaphore_mem>>)
      %dma_wait3A = arith.constant 0 : i32
      %dma_wait3A_60 = arith.constant 0 : i32
      %dma_wait3A_61 = tpu.memref_slice %arg10[%dma_wait3A, %dma_wait3A_60] : memref<10240x128xf32, #tpu.memory_space<vmem_shared>> -> memref<10240x128xf32, #tpu.memory_space<vmem_shared>>
      tpu.wait_indirect_dma semaphore(%run_scoped3A : memref<!tpu.dma_semaphore, #tpu.memory_space<semaphore_mem>>) src(%arg9 : memref<128x128xf32, #tpu.memory_space<vmem>>) dst(%dma_wait3A_61 : memref<10240x128xf32, #tpu.memory_space<vmem_shared>>)
      tpu.yield
    }) : () -> ()
    %barrier3A = arith.constant 0 : index
    tpu.barrier barrier_id(%barrier3A)
    %mul3A_21 = arith.constant 78 : i32
    %mul3A_22 = arith.muli %add3A, %mul3A_21 : i32
    %min3A = arith.constant 4 : i32
    %min3A_23 = arith.minsi %add3A, %min3A : i32
    %add3A_24 = arith.addi %mul3A_22, %min3A_23 : i32
    %lt3A = arith.constant 4 : i32
    %lt3A_25 = arith.cmpi slt, %add3A, %lt3A : i32
    %jit3A = arith.constant 1 : i32
    %jit3A_26 = arith.constant 0 : i32
    %select_n3A = arith.select %lt3A_25, %jit3A, %jit3A_26 : i32
    %add3A_27 = arith.constant 78 : i32
    %add3A_28 = arith.addi %add3A_27, %select_n3A : i32
    %add3A_29 = arith.addi %add3A_24, %add3A_28 : i32
    %while3A = arith.subi %add3A_29, %add3A_24 : i32
    %while3A_30 = arith.addi %add3A_24, %while3A : i32
    %while3A_31 = arith.constant 1 : i32
    %while3A_32 = arith.divsi %while3A, %while3A_31 : i32
    %while3A_33 = arith.muli %while3A_32, %while3A_31 : i32
    %while3A_34 = arith.addi %add3A_24, %while3A_33 : i32
    %while3A_35 = arith.constant 1 : i32
    scf.for %while3A_58 = %add3A_24 to %while3A_34 step %while3A_35  : i32 {
      %mul3A_59 = arith.constant 128 : i32
      %mul3A_60 = arith.muli %while3A_58, %mul3A_59 : i32
      %run_scoped3A = arith.constant 1 : i32
      "tpu.region"() ({
        %run_scoped3A_61 = tpu.sem_alloc : memref<!tpu.dma_semaphore, #tpu.memory_space<semaphore_mem>>
        %dma_start3A = tpu.memref_slice %arg2[%run_scoped3A, %mul3A_60] : memref<2x320000xi32, #tpu.memory_space<hbm>> -> memref<1x128xi32, #tpu.memory_space<hbm>>
        %dma_start3A_62 = tpu.memref_squeeze %dma_start3A : memref<1x128xi32, #tpu.memory_space<hbm>> -> memref<128xi32, #tpu.memory_space<hbm>>
        %dma_start3A_63 = tpu.memref_slice %arg2[%run_scoped3A, %mul3A_60] : memref<2x320000xi32, #tpu.memory_space<hbm>> -> memref<1x128xi32, #tpu.memory_space<hbm>>
        %dma_start3A_64 = tpu.memref_squeeze %dma_start3A_63 : memref<1x128xi32, #tpu.memory_space<hbm>> -> memref<128xi32, #tpu.memory_space<hbm>>
        tpu.enqueue_dma source(%dma_start3A_64 : memref<128xi32, #tpu.memory_space<hbm>>) target(%arg7 : memref<128xi32, #tpu.memory_space<vmem>>) target_semaphore(%run_scoped3A_61 : memref<!tpu.dma_semaphore, #tpu.memory_space<semaphore_mem>>)
        %dma_wait3A = tpu.memref_slice %arg2[%run_scoped3A, %mul3A_60] : memref<2x320000xi32, #tpu.memory_space<hbm>> -> memref<1x128xi32, #tpu.memory_space<hbm>>
        %dma_wait3A_65 = tpu.memref_squeeze %dma_wait3A : memref<1x128xi32, #tpu.memory_space<hbm>> -> memref<128xi32, #tpu.memory_space<hbm>>
        %dma_wait3A_66 = tpu.memref_slice %arg2[%run_scoped3A, %mul3A_60] : memref<2x320000xi32, #tpu.memory_space<hbm>> -> memref<1x128xi32, #tpu.memory_space<hbm>>
        %dma_wait3A_67 = tpu.memref_squeeze %dma_wait3A_66 : memref<1x128xi32, #tpu.memory_space<hbm>> -> memref<128xi32, #tpu.memory_space<hbm>>
        tpu.wait_dma2 semaphore(%run_scoped3A_61 : memref<!tpu.dma_semaphore, #tpu.memory_space<semaphore_mem>>) src(%dma_wait3A_67 : memref<128xi32, #tpu.memory_space<hbm>>) dst(%arg7 : memref<128xi32, #tpu.memory_space<vmem>>)
        tpu.yield
      }) : () -> ()
      "tpu.region"() ({
        %run_scoped3A_61 = tpu.sem_alloc : memref<!tpu.dma_semaphore, #tpu.memory_space<semaphore_mem>>
        %dma_start3A = arith.constant 0 : i32
        %dma_start3A_62 = arith.constant 0 : i32
        %dma_start3A_63 = tpu.memref_slice %arg10[%dma_start3A, %dma_start3A_62] : memref<10240x128xf32, #tpu.memory_space<vmem_shared>> -> memref<10240x128xf32, #tpu.memory_space<vmem_shared>>
        tpu.enqueue_indirect_dma source(%arg8 : memref<128x128xf32, #tpu.memory_space<vmem>>) target(%dma_start3A_63 : memref<10240x128xf32, #tpu.memory_space<vmem_shared>>) offsets(%arg7 : memref<128xi32, #tpu.memory_space<vmem>>) semaphore(%run_scoped3A_61 : memref<!tpu.dma_semaphore, #tpu.memory_space<semaphore_mem>>) {add = true}
        %dma_wait3A = arith.constant 0 : i32
        %dma_wait3A_64 = arith.constant 0 : i32
        %dma_wait3A_65 = tpu.memref_slice %arg10[%dma_wait3A, %dma_wait3A_64] : memref<10240x128xf32, #tpu.memory_space<vmem_shared>> -> memref<10240x128xf32, #tpu.memory_space<vmem_shared>>
        tpu.wait_indirect_dma semaphore(%run_scoped3A_61 : memref<!tpu.dma_semaphore, #tpu.memory_space<semaphore_mem>>) src(%arg8 : memref<128x128xf32, #tpu.memory_space<vmem>>) dst(%dma_wait3A_65 : memref<10240x128xf32, #tpu.memory_space<vmem_shared>>)
        tpu.yield
      }) : () -> ()
    }
    %while3A_36 = arith.constant 1 : i32
    scf.for %while3A_58 = %while3A_34 to %while3A_30 step %while3A_36  : i32 {
      %mul3A_59 = arith.constant 128 : i32
      %mul3A_60 = arith.muli %while3A_58, %mul3A_59 : i32
      %run_scoped3A = arith.constant 1 : i32
      "tpu.region"() ({
        %run_scoped3A_61 = tpu.sem_alloc : memref<!tpu.dma_semaphore, #tpu.memory_space<semaphore_mem>>
        %dma_start3A = tpu.memref_slice %arg2[%run_scoped3A, %mul3A_60] : memref<2x320000xi32, #tpu.memory_space<hbm>> -> memref<1x128xi32, #tpu.memory_space<hbm>>
        %dma_start3A_62 = tpu.memref_squeeze %dma_start3A : memref<1x128xi32, #tpu.memory_space<hbm>> -> memref<128xi32, #tpu.memory_space<hbm>>
        %dma_start3A_63 = tpu.memref_slice %arg2[%run_scoped3A, %mul3A_60] : memref<2x320000xi32, #tpu.memory_space<hbm>> -> memref<1x128xi32, #tpu.memory_space<hbm>>
        %dma_start3A_64 = tpu.memref_squeeze %dma_start3A_63 : memref<1x128xi32, #tpu.memory_space<hbm>> -> memref<128xi32, #tpu.memory_space<hbm>>
        tpu.enqueue_dma source(%dma_start3A_64 : memref<128xi32, #tpu.memory_space<hbm>>) target(%arg7 : memref<128xi32, #tpu.memory_space<vmem>>) target_semaphore(%run_scoped3A_61 : memref<!tpu.dma_semaphore, #tpu.memory_space<semaphore_mem>>)
        %dma_wait3A = tpu.memref_slice %arg2[%run_scoped3A, %mul3A_60] : memref<2x320000xi32, #tpu.memory_space<hbm>> -> memref<1x128xi32, #tpu.memory_space<hbm>>
        %dma_wait3A_65 = tpu.memref_squeeze %dma_wait3A : memref<1x128xi32, #tpu.memory_space<hbm>> -> memref<128xi32, #tpu.memory_space<hbm>>
        %dma_wait3A_66 = tpu.memref_slice %arg2[%run_scoped3A, %mul3A_60] : memref<2x320000xi32, #tpu.memory_space<hbm>> -> memref<1x128xi32, #tpu.memory_space<hbm>>
        %dma_wait3A_67 = tpu.memref_squeeze %dma_wait3A_66 : memref<1x128xi32, #tpu.memory_space<hbm>> -> memref<128xi32, #tpu.memory_space<hbm>>
        tpu.wait_dma2 semaphore(%run_scoped3A_61 : memref<!tpu.dma_semaphore, #tpu.memory_space<semaphore_mem>>) src(%dma_wait3A_67 : memref<128xi32, #tpu.memory_space<hbm>>) dst(%arg7 : memref<128xi32, #tpu.memory_space<vmem>>)
        tpu.yield
      }) : () -> ()
      "tpu.region"() ({
        %run_scoped3A_61 = tpu.sem_alloc : memref<!tpu.dma_semaphore, #tpu.memory_space<semaphore_mem>>
        %dma_start3A = arith.constant 0 : i32
        %dma_start3A_62 = arith.constant 0 : i32
        %dma_start3A_63 = tpu.memref_slice %arg10[%dma_start3A, %dma_start3A_62] : memref<10240x128xf32, #tpu.memory_space<vmem_shared>> -> memref<10240x128xf32, #tpu.memory_space<vmem_shared>>
        tpu.enqueue_indirect_dma source(%arg8 : memref<128x128xf32, #tpu.memory_space<vmem>>) target(%dma_start3A_63 : memref<10240x128xf32, #tpu.memory_space<vmem_shared>>) offsets(%arg7 : memref<128xi32, #tpu.memory_space<vmem>>) semaphore(%run_scoped3A_61 : memref<!tpu.dma_semaphore, #tpu.memory_space<semaphore_mem>>) {add = true}
        %dma_wait3A = arith.constant 0 : i32
        %dma_wait3A_64 = arith.constant 0 : i32
        %dma_wait3A_65 = tpu.memref_slice %arg10[%dma_wait3A, %dma_wait3A_64] : memref<10240x128xf32, #tpu.memory_space<vmem_shared>> -> memref<10240x128xf32, #tpu.memory_space<vmem_shared>>
        tpu.wait_indirect_dma semaphore(%run_scoped3A_61 : memref<!tpu.dma_semaphore, #tpu.memory_space<semaphore_mem>>) src(%arg8 : memref<128x128xf32, #tpu.memory_space<vmem>>) dst(%dma_wait3A_65 : memref<10240x128xf32, #tpu.memory_space<vmem_shared>>)
        tpu.yield
      }) : () -> ()
    }
    %barrier3A_37 = arith.constant 0 : index
    tpu.barrier barrier_id(%barrier3A_37)
    %mul3A_38 = arith.constant 640 : i32
    %mul3A_39 = arith.muli %arg1, %mul3A_38 : i32
    %add3A_40 = arith.constant 0 : i32
    %add3A_41 = arith.addi %mul3A_39, %add3A_40 : i32
    "tpu.region"() ({
      %run_scoped3A = tpu.sem_alloc : memref<!tpu.dma_semaphore, #tpu.memory_space<semaphore_mem>>
      %dma_start3A = tpu.memref_slice %arg5[%add3A_41] : memref<10240xi32, #tpu.memory_space<hbm>> -> memref<128xi32, #tpu.memory_space<hbm>>
      %dma_start3A_58 = tpu.memref_slice %arg5[%add3A_41] : memref<10240xi32, #tpu.memory_space<hbm>> -> memref<128xi32, #tpu.memory_space<hbm>>
      tpu.enqueue_dma source(%dma_start3A_58 : memref<128xi32, #tpu.memory_space<hbm>>) target(%arg7 : memref<128xi32, #tpu.memory_space<vmem>>) target_semaphore(%run_scoped3A : memref<!tpu.dma_semaphore, #tpu.memory_space<semaphore_mem>>)
      %dma_wait3A = tpu.memref_slice %arg5[%add3A_41] : memref<10240xi32, #tpu.memory_space<hbm>> -> memref<128xi32, #tpu.memory_space<hbm>>
      %dma_wait3A_59 = tpu.memref_slice %arg5[%add3A_41] : memref<10240xi32, #tpu.memory_space<hbm>> -> memref<128xi32, #tpu.memory_space<hbm>>
      tpu.wait_dma2 semaphore(%run_scoped3A : memref<!tpu.dma_semaphore, #tpu.memory_space<semaphore_mem>>) src(%dma_wait3A_59 : memref<128xi32, #tpu.memory_space<hbm>>) dst(%arg7 : memref<128xi32, #tpu.memory_space<vmem>>)
      tpu.yield
    }) : () -> ()
    "tpu.region"() ({
      %run_scoped3A = tpu.sem_alloc : memref<!tpu.dma_semaphore, #tpu.memory_space<semaphore_mem>>
      %dma_start3A = arith.constant 0 : i32
      %dma_start3A_58 = arith.constant 0 : i32
      %dma_start3A_59 = tpu.memref_slice %arg10[%dma_start3A, %dma_start3A_58] : memref<10240x128xf32, #tpu.memory_space<vmem_shared>> -> memref<10240x128xf32, #tpu.memory_space<vmem_shared>>
      tpu.enqueue_indirect_dma source(%dma_start3A_59 : memref<10240x128xf32, #tpu.memory_space<vmem_shared>>) target(%arg9 : memref<128x128xf32, #tpu.memory_space<vmem>>) offsets(%arg7 : memref<128xi32, #tpu.memory_space<vmem>>) semaphore(%run_scoped3A : memref<!tpu.dma_semaphore, #tpu.memory_space<semaphore_mem>>)
      %dma_wait3A = arith.constant 0 : i32
      %dma_wait3A_60 = arith.constant 0 : i32
      %dma_wait3A_61 = tpu.memref_slice %arg10[%dma_wait3A, %dma_wait3A_60] : memref<10240x128xf32, #tpu.memory_space<vmem_shared>> -> memref<10240x128xf32, #tpu.memory_space<vmem_shared>>
      tpu.wait_indirect_dma semaphore(%run_scoped3A : memref<!tpu.dma_semaphore, #tpu.memory_space<semaphore_mem>>) src(%dma_wait3A_61 : memref<10240x128xf32, #tpu.memory_space<vmem_shared>>) dst(%arg9 : memref<128x128xf32, #tpu.memory_space<vmem>>)
      tpu.yield
    }) : () -> ()
    "tpu.region"() ({
      %run_scoped3A = tpu.sem_alloc : memref<!tpu.dma_semaphore, #tpu.memory_space<semaphore_mem>>
      %dma_start3A = arith.constant 0 : i32
      %dma_start3A_58 = tpu.memref_slice %arg6[%arg0, %add3A_41, %dma_start3A] : memref<2x10240x128xf32, #tpu.memory_space<hbm>> -> memref<1x128x128xf32, #tpu.memory_space<hbm>>
      %dma_start3A_59 = tpu.memref_squeeze %dma_start3A_58 : memref<1x128x128xf32, #tpu.memory_space<hbm>> -> memref<128x128xf32, #tpu.memory_space<hbm>>
      %dma_start3A_60 = arith.constant 0 : i32
      %dma_start3A_61 = tpu.memref_slice %arg6[%arg0, %add3A_41, %dma_start3A_60] : memref<2x10240x128xf32, #tpu.memory_space<hbm>> -> memref<1x128x128xf32, #tpu.memory_space<hbm>>
      %dma_start3A_62 = tpu.memref_squeeze %dma_start3A_61 : memref<1x128x128xf32, #tpu.memory_space<hbm>> -> memref<128x128xf32, #tpu.memory_space<hbm>>
      tpu.enqueue_dma source(%arg9 : memref<128x128xf32, #tpu.memory_space<vmem>>) target(%dma_start3A_62 : memref<128x128xf32, #tpu.memory_space<hbm>>) target_semaphore(%run_scoped3A : memref<!tpu.dma_semaphore, #tpu.memory_space<semaphore_mem>>)
      %dma_wait3A = arith.constant 0 : i32
      %dma_wait3A_63 = tpu.memref_slice %arg6[%arg0, %add3A_41, %dma_wait3A] : memref<2x10240x128xf32, #tpu.memory_space<hbm>> -> memref<1x128x128xf32, #tpu.memory_space<hbm>>
      %dma_wait3A_64 = tpu.memref_squeeze %dma_wait3A_63 : memref<1x128x128xf32, #tpu.memory_space<hbm>> -> memref<128x128xf32, #tpu.memory_space<hbm>>
      %dma_wait3A_65 = arith.constant 0 : i32
      %dma_wait3A_66 = tpu.memref_slice %arg6[%arg0, %add3A_41, %dma_wait3A_65] : memref<2x10240x128xf32, #tpu.memory_space<hbm>> -> memref<1x128x128xf32, #tpu.memory_space<hbm>>
      %dma_wait3A_67 = tpu.memref_squeeze %dma_wait3A_66 : memref<1x128x128xf32, #tpu.memory_space<hbm>> -> memref<128x128xf32, #tpu.memory_space<hbm>>
      tpu.wait_dma2 semaphore(%run_scoped3A : memref<!tpu.dma_semaphore, #tpu.memory_space<semaphore_mem>>) src(%arg9 : memref<128x128xf32, #tpu.memory_space<vmem>>) dst(%dma_wait3A_67 : memref<128x128xf32, #tpu.memory_space<hbm>>)
      tpu.yield
    }) : () -> ()
    %mul3A_42 = arith.constant 640 : i32
    %mul3A_43 = arith.muli %arg1, %mul3A_42 : i32
    %add3A_44 = arith.constant 128 : i32
    %add3A_45 = arith.addi %mul3A_43, %add3A_44 : i32
    "tpu.region"() ({
      %run_scoped3A = tpu.sem_alloc : memref<!tpu.dma_semaphore, #tpu.memory_space<semaphore_mem>>
      %dma_start3A = tpu.memref_slice %arg5[%add3A_45] : memref<10240xi32, #tpu.memory_space<hbm>> -> memref<128xi32, #tpu.memory_space<hbm>>
      %dma_start3A_58 = tpu.memref_slice %arg5[%add3A_45] : memref<10240xi32, #tpu.memory_space<hbm>> -> memref<128xi32, #tpu.memory_space<hbm>>
      tpu.enqueue_dma source(%dma_start3A_58 : memref<128xi32, #tpu.memory_space<hbm>>) target(%arg7 : memref<128xi32, #tpu.memory_space<vmem>>) target_semaphore(%run_scoped3A : memref<!tpu.dma_semaphore, #tpu.memory_space<semaphore_mem>>)
      %dma_wait3A = tpu.memref_slice %arg5[%add3A_45] : memref<10240xi32, #tpu.memory_space<hbm>> -> memref<128xi32, #tpu.memory_space<hbm>>
      %dma_wait3A_59 = tpu.memref_slice %arg5[%add3A_45] : memref<10240xi32, #tpu.memory_space<hbm>> -> memref<128xi32, #tpu.memory_space<hbm>>
      tpu.wait_dma2 semaphore(%run_scoped3A : memref<!tpu.dma_semaphore, #tpu.memory_space<semaphore_mem>>) src(%dma_wait3A_59 : memref<128xi32, #tpu.memory_space<hbm>>) dst(%arg7 : memref<128xi32, #tpu.memory_space<vmem>>)
      tpu.yield
    }) : () -> ()
    "tpu.region"() ({
      %run_scoped3A = tpu.sem_alloc : memref<!tpu.dma_semaphore, #tpu.memory_space<semaphore_mem>>
      %dma_start3A = arith.constant 0 : i32
      %dma_start3A_58 = arith.constant 0 : i32
      %dma_start3A_59 = tpu.memref_slice %arg10[%dma_start3A, %dma_start3A_58] : memref<10240x128xf32, #tpu.memory_space<vmem_shared>> -> memref<10240x128xf32, #tpu.memory_space<vmem_shared>>
      tpu.enqueue_indirect_dma source(%dma_start3A_59 : memref<10240x128xf32, #tpu.memory_space<vmem_shared>>) target(%arg9 : memref<128x128xf32, #tpu.memory_space<vmem>>) offsets(%arg7 : memref<128xi32, #tpu.memory_space<vmem>>) semaphore(%run_scoped3A : memref<!tpu.dma_semaphore, #tpu.memory_space<semaphore_mem>>)
      %dma_wait3A = arith.constant 0 : i32
      %dma_wait3A_60 = arith.constant 0 : i32
      %dma_wait3A_61 = tpu.memref_slice %arg10[%dma_wait3A, %dma_wait3A_60] : memref<10240x128xf32, #tpu.memory_space<vmem_shared>> -> memref<10240x128xf32, #tpu.memory_space<vmem_shared>>
      tpu.wait_indirect_dma semaphore(%run_scoped3A : memref<!tpu.dma_semaphore, #tpu.memory_space<semaphore_mem>>) src(%dma_wait3A_61 : memref<10240x128xf32, #tpu.memory_space<vmem_shared>>) dst(%arg9 : memref<128x128xf32, #tpu.memory_space<vmem>>)
      tpu.yield
    }) : () -> ()
    "tpu.region"() ({
      %run_scoped3A = tpu.sem_alloc : memref<!tpu.dma_semaphore, #tpu.memory_space<semaphore_mem>>
      %dma_start3A = arith.constant 0 : i32
      %dma_start3A_58 = tpu.memref_slice %arg6[%arg0, %add3A_45, %dma_start3A] : memref<2x10240x128xf32, #tpu.memory_space<hbm>> -> memref<1x128x128xf32, #tpu.memory_space<hbm>>
      %dma_start3A_59 = tpu.memref_squeeze %dma_start3A_58 : memref<1x128x128xf32, #tpu.memory_space<hbm>> -> memref<128x128xf32, #tpu.memory_space<hbm>>
      %dma_start3A_60 = arith.constant 0 : i32
      %dma_start3A_61 = tpu.memref_slice %arg6[%arg0, %add3A_45, %dma_start3A_60] : memref<2x10240x128xf32, #tpu.memory_space<hbm>> -> memref<1x128x128xf32, #tpu.memory_space<hbm>>
      %dma_start3A_62 = tpu.memref_squeeze %dma_start3A_61 : memref<1x128x128xf32, #tpu.memory_space<hbm>> -> memref<128x128xf32, #tpu.memory_space<hbm>>
      tpu.enqueue_dma source(%arg9 : memref<128x128xf32, #tpu.memory_space<vmem>>) target(%dma_start3A_62 : memref<128x128xf32, #tpu.memory_space<hbm>>) target_semaphore(%run_scoped3A : memref<!tpu.dma_semaphore, #tpu.memory_space<semaphore_mem>>)
      %dma_wait3A = arith.constant 0 : i32
      %dma_wait3A_63 = tpu.memref_slice %arg6[%arg0, %add3A_45, %dma_wait3A] : memref<2x10240x128xf32, #tpu.memory_space<hbm>> -> memref<1x128x128xf32, #tpu.memory_space<hbm>>
      %dma_wait3A_64 = tpu.memref_squeeze %dma_wait3A_63 : memref<1x128x128xf32, #tpu.memory_space<hbm>> -> memref<128x128xf32, #tpu.memory_space<hbm>>
      %dma_wait3A_65 = arith.constant 0 : i32
      %dma_wait3A_66 = tpu.memref_slice %arg6[%arg0, %add3A_45, %dma_wait3A_65] : memref<2x10240x128xf32, #tpu.memory_space<hbm>> -> memref<1x128x128xf32, #tpu.memory_space<hbm>>
      %dma_wait3A_67 = tpu.memref_squeeze %dma_wait3A_66 : memref<1x128x128xf32, #tpu.memory_space<hbm>> -> memref<128x128xf32, #tpu.memory_space<hbm>>
      tpu.wait_dma2 semaphore(%run_scoped3A : memref<!tpu.dma_semaphore, #tpu.memory_space<semaphore_mem>>) src(%arg9 : memref<128x128xf32, #tpu.memory_space<vmem>>) dst(%dma_wait3A_67 : memref<128x128xf32, #tpu.memory_space<hbm>>)
      tpu.yield
    }) : () -> ()
    %mul3A_46 = arith.constant 640 : i32
    %mul3A_47 = arith.muli %arg1, %mul3A_46 : i32
    %add3A_48 = arith.constant 256 : i32
    %add3A_49 = arith.addi %mul3A_47, %add3A_48 : i32
    "tpu.region"() ({
      %run_scoped3A = tpu.sem_alloc : memref<!tpu.dma_semaphore, #tpu.memory_space<semaphore_mem>>
      %dma_start3A = tpu.memref_slice %arg5[%add3A_49] : memref<10240xi32, #tpu.memory_space<hbm>> -> memref<128xi32, #tpu.memory_space<hbm>>
      %dma_start3A_58 = tpu.memref_slice %arg5[%add3A_49] : memref<10240xi32, #tpu.memory_space<hbm>> -> memref<128xi32, #tpu.memory_space<hbm>>
      tpu.enqueue_dma source(%dma_start3A_58 : memref<128xi32, #tpu.memory_space<hbm>>) target(%arg7 : memref<128xi32, #tpu.memory_space<vmem>>) target_semaphore(%run_scoped3A : memref<!tpu.dma_semaphore, #tpu.memory_space<semaphore_mem>>)
      %dma_wait3A = tpu.memref_slice %arg5[%add3A_49] : memref<10240xi32, #tpu.memory_space<hbm>> -> memref<128xi32, #tpu.memory_space<hbm>>
      %dma_wait3A_59 = tpu.memref_slice %arg5[%add3A_49] : memref<10240xi32, #tpu.memory_space<hbm>> -> memref<128xi32, #tpu.memory_space<hbm>>
      tpu.wait_dma2 semaphore(%run_scoped3A : memref<!tpu.dma_semaphore, #tpu.memory_space<semaphore_mem>>) src(%dma_wait3A_59 : memref<128xi32, #tpu.memory_space<hbm>>) dst(%arg7 : memref<128xi32, #tpu.memory_space<vmem>>)
      tpu.yield
    }) : () -> ()
    "tpu.region"() ({
      %run_scoped3A = tpu.sem_alloc : memref<!tpu.dma_semaphore, #tpu.memory_space<semaphore_mem>>
      %dma_start3A = arith.constant 0 : i32
      %dma_start3A_58 = arith.constant 0 : i32
      %dma_start3A_59 = tpu.memref_slice %arg10[%dma_start3A, %dma_start3A_58] : memref<10240x128xf32, #tpu.memory_space<vmem_shared>> -> memref<10240x128xf32, #tpu.memory_space<vmem_shared>>
      tpu.enqueue_indirect_dma source(%dma_start3A_59 : memref<10240x128xf32, #tpu.memory_space<vmem_shared>>) target(%arg9 : memref<128x128xf32, #tpu.memory_space<vmem>>) offsets(%arg7 : memref<128xi32, #tpu.memory_space<vmem>>) semaphore(%run_scoped3A : memref<!tpu.dma_semaphore, #tpu.memory_space<semaphore_mem>>)
      %dma_wait3A = arith.constant 0 : i32
      %dma_wait3A_60 = arith.constant 0 : i32
      %dma_wait3A_61 = tpu.memref_slice %arg10[%dma_wait3A, %dma_wait3A_60] : memref<10240x128xf32, #tpu.memory_space<vmem_shared>> -> memref<10240x128xf32, #tpu.memory_space<vmem_shared>>
      tpu.wait_indirect_dma semaphore(%run_scoped3A : memref<!tpu.dma_semaphore, #tpu.memory_space<semaphore_mem>>) src(%dma_wait3A_61 : memref<10240x128xf32, #tpu.memory_space<vmem_shared>>) dst(%arg9 : memref<128x128xf32, #tpu.memory_space<vmem>>)
      tpu.yield
    }) : () -> ()
    "tpu.region"() ({
      %run_scoped3A = tpu.sem_alloc : memref<!tpu.dma_semaphore, #tpu.memory_space<semaphore_mem>>
      %dma_start3A = arith.constant 0 : i32
      %dma_start3A_58 = tpu.memref_slice %arg6[%arg0, %add3A_49, %dma_start3A] : memref<2x10240x128xf32, #tpu.memory_space<hbm>> -> memref<1x128x128xf32, #tpu.memory_space<hbm>>
      %dma_start3A_59 = tpu.memref_squeeze %dma_start3A_58 : memref<1x128x128xf32, #tpu.memory_space<hbm>> -> memref<128x128xf32, #tpu.memory_space<hbm>>
      %dma_start3A_60 = arith.constant 0 : i32
      %dma_start3A_61 = tpu.memref_slice %arg6[%arg0, %add3A_49, %dma_start3A_60] : memref<2x10240x128xf32, #tpu.memory_space<hbm>> -> memref<1x128x128xf32, #tpu.memory_space<hbm>>
      %dma_start3A_62 = tpu.memref_squeeze %dma_start3A_61 : memref<1x128x128xf32, #tpu.memory_space<hbm>> -> memref<128x128xf32, #tpu.memory_space<hbm>>
      tpu.enqueue_dma source(%arg9 : memref<128x128xf32, #tpu.memory_space<vmem>>) target(%dma_start3A_62 : memref<128x128xf32, #tpu.memory_space<hbm>>) target_semaphore(%run_scoped3A : memref<!tpu.dma_semaphore, #tpu.memory_space<semaphore_mem>>)
      %dma_wait3A = arith.constant 0 : i32
      %dma_wait3A_63 = tpu.memref_slice %arg6[%arg0, %add3A_49, %dma_wait3A] : memref<2x10240x128xf32, #tpu.memory_space<hbm>> -> memref<1x128x128xf32, #tpu.memory_space<hbm>>
      %dma_wait3A_64 = tpu.memref_squeeze %dma_wait3A_63 : memref<1x128x128xf32, #tpu.memory_space<hbm>> -> memref<128x128xf32, #tpu.memory_space<hbm>>
      %dma_wait3A_65 = arith.constant 0 : i32
      %dma_wait3A_66 = tpu.memref_slice %arg6[%arg0, %add3A_49, %dma_wait3A_65] : memref<2x10240x128xf32, #tpu.memory_space<hbm>> -> memref<1x128x128xf32, #tpu.memory_space<hbm>>
      %dma_wait3A_67 = tpu.memref_squeeze %dma_wait3A_66 : memref<1x128x128xf32, #tpu.memory_space<hbm>> -> memref<128x128xf32, #tpu.memory_space<hbm>>
      tpu.wait_dma2 semaphore(%run_scoped3A : memref<!tpu.dma_semaphore, #tpu.memory_space<semaphore_mem>>) src(%arg9 : memref<128x128xf32, #tpu.memory_space<vmem>>) dst(%dma_wait3A_67 : memref<128x128xf32, #tpu.memory_space<hbm>>)
      tpu.yield
    }) : () -> ()
    %mul3A_50 = arith.constant 640 : i32
    %mul3A_51 = arith.muli %arg1, %mul3A_50 : i32
    %add3A_52 = arith.constant 384 : i32
    %add3A_53 = arith.addi %mul3A_51, %add3A_52 : i32
    "tpu.region"() ({
      %run_scoped3A = tpu.sem_alloc : memref<!tpu.dma_semaphore, #tpu.memory_space<semaphore_mem>>
      %dma_start3A = tpu.memref_slice %arg5[%add3A_53] : memref<10240xi32, #tpu.memory_space<hbm>> -> memref<128xi32, #tpu.memory_space<hbm>>
      %dma_start3A_58 = tpu.memref_slice %arg5[%add3A_53] : memref<10240xi32, #tpu.memory_space<hbm>> -> memref<128xi32, #tpu.memory_space<hbm>>
      tpu.enqueue_dma source(%dma_start3A_58 : memref<128xi32, #tpu.memory_space<hbm>>) target(%arg7 : memref<128xi32, #tpu.memory_space<vmem>>) target_semaphore(%run_scoped3A : memref<!tpu.dma_semaphore, #tpu.memory_space<semaphore_mem>>)
      %dma_wait3A = tpu.memref_slice %arg5[%add3A_53] : memref<10240xi32, #tpu.memory_space<hbm>> -> memref<128xi32, #tpu.memory_space<hbm>>
      %dma_wait3A_59 = tpu.memref_slice %arg5[%add3A_53] : memref<10240xi32, #tpu.memory_space<hbm>> -> memref<128xi32, #tpu.memory_space<hbm>>
      tpu.wait_dma2 semaphore(%run_scoped3A : memref<!tpu.dma_semaphore, #tpu.memory_space<semaphore_mem>>) src(%dma_wait3A_59 : memref<128xi32, #tpu.memory_space<hbm>>) dst(%arg7 : memref<128xi32, #tpu.memory_space<vmem>>)
      tpu.yield
    }) : () -> ()
    "tpu.region"() ({
      %run_scoped3A = tpu.sem_alloc : memref<!tpu.dma_semaphore, #tpu.memory_space<semaphore_mem>>
      %dma_start3A = arith.constant 0 : i32
      %dma_start3A_58 = arith.constant 0 : i32
      %dma_start3A_59 = tpu.memref_slice %arg10[%dma_start3A, %dma_start3A_58] : memref<10240x128xf32, #tpu.memory_space<vmem_shared>> -> memref<10240x128xf32, #tpu.memory_space<vmem_shared>>
      tpu.enqueue_indirect_dma source(%dma_start3A_59 : memref<10240x128xf32, #tpu.memory_space<vmem_shared>>) target(%arg9 : memref<128x128xf32, #tpu.memory_space<vmem>>) offsets(%arg7 : memref<128xi32, #tpu.memory_space<vmem>>) semaphore(%run_scoped3A : memref<!tpu.dma_semaphore, #tpu.memory_space<semaphore_mem>>)
      %dma_wait3A = arith.constant 0 : i32
      %dma_wait3A_60 = arith.constant 0 : i32
      %dma_wait3A_61 = tpu.memref_slice %arg10[%dma_wait3A, %dma_wait3A_60] : memref<10240x128xf32, #tpu.memory_space<vmem_shared>> -> memref<10240x128xf32, #tpu.memory_space<vmem_shared>>
      tpu.wait_indirect_dma semaphore(%run_scoped3A : memref<!tpu.dma_semaphore, #tpu.memory_space<semaphore_mem>>) src(%dma_wait3A_61 : memref<10240x128xf32, #tpu.memory_space<vmem_shared>>) dst(%arg9 : memref<128x128xf32, #tpu.memory_space<vmem>>)
      tpu.yield
    }) : () -> ()
    "tpu.region"() ({
      %run_scoped3A = tpu.sem_alloc : memref<!tpu.dma_semaphore, #tpu.memory_space<semaphore_mem>>
      %dma_start3A = arith.constant 0 : i32
      %dma_start3A_58 = tpu.memref_slice %arg6[%arg0, %add3A_53, %dma_start3A] : memref<2x10240x128xf32, #tpu.memory_space<hbm>> -> memref<1x128x128xf32, #tpu.memory_space<hbm>>
      %dma_start3A_59 = tpu.memref_squeeze %dma_start3A_58 : memref<1x128x128xf32, #tpu.memory_space<hbm>> -> memref<128x128xf32, #tpu.memory_space<hbm>>
      %dma_start3A_60 = arith.constant 0 : i32
      %dma_start3A_61 = tpu.memref_slice %arg6[%arg0, %add3A_53, %dma_start3A_60] : memref<2x10240x128xf32, #tpu.memory_space<hbm>> -> memref<1x128x128xf32, #tpu.memory_space<hbm>>
      %dma_start3A_62 = tpu.memref_squeeze %dma_start3A_61 : memref<1x128x128xf32, #tpu.memory_space<hbm>> -> memref<128x128xf32, #tpu.memory_space<hbm>>
      tpu.enqueue_dma source(%arg9 : memref<128x128xf32, #tpu.memory_space<vmem>>) target(%dma_start3A_62 : memref<128x128xf32, #tpu.memory_space<hbm>>) target_semaphore(%run_scoped3A : memref<!tpu.dma_semaphore, #tpu.memory_space<semaphore_mem>>)
      %dma_wait3A = arith.constant 0 : i32
      %dma_wait3A_63 = tpu.memref_slice %arg6[%arg0, %add3A_53, %dma_wait3A] : memref<2x10240x128xf32, #tpu.memory_space<hbm>> -> memref<1x128x128xf32, #tpu.memory_space<hbm>>
      %dma_wait3A_64 = tpu.memref_squeeze %dma_wait3A_63 : memref<1x128x128xf32, #tpu.memory_space<hbm>> -> memref<128x128xf32, #tpu.memory_space<hbm>>
      %dma_wait3A_65 = arith.constant 0 : i32
      %dma_wait3A_66 = tpu.memref_slice %arg6[%arg0, %add3A_53, %dma_wait3A_65] : memref<2x10240x128xf32, #tpu.memory_space<hbm>> -> memref<1x128x128xf32, #tpu.memory_space<hbm>>
      %dma_wait3A_67 = tpu.memref_squeeze %dma_wait3A_66 : memref<1x128x128xf32, #tpu.memory_space<hbm>> -> memref<128x128xf32, #tpu.memory_space<hbm>>
      tpu.wait_dma2 semaphore(%run_scoped3A : memref<!tpu.dma_semaphore, #tpu.memory_space<semaphore_mem>>) src(%arg9 : memref<128x128xf32, #tpu.memory_space<vmem>>) dst(%dma_wait3A_67 : memref<128x128xf32, #tpu.memory_space<hbm>>)
      tpu.yield
    }) : () -> ()
    %mul3A_54 = arith.constant 640 : i32
    %mul3A_55 = arith.muli %arg1, %mul3A_54 : i32
    %add3A_56 = arith.constant 512 : i32
    %add3A_57 = arith.addi %mul3A_55, %add3A_56 : i32
    "tpu.region"() ({
      %run_scoped3A = tpu.sem_alloc : memref<!tpu.dma_semaphore, #tpu.memory_space<semaphore_mem>>
      %dma_start3A = tpu.memref_slice %arg5[%add3A_57] : memref<10240xi32, #tpu.memory_space<hbm>> -> memref<128xi32, #tpu.memory_space<hbm>>
      %dma_start3A_58 = tpu.memref_slice %arg5[%add3A_57] : memref<10240xi32, #tpu.memory_space<hbm>> -> memref<128xi32, #tpu.memory_space<hbm>>
      tpu.enqueue_dma source(%dma_start3A_58 : memref<128xi32, #tpu.memory_space<hbm>>) target(%arg7 : memref<128xi32, #tpu.memory_space<vmem>>) target_semaphore(%run_scoped3A : memref<!tpu.dma_semaphore, #tpu.memory_space<semaphore_mem>>)
      %dma_wait3A = tpu.memref_slice %arg5[%add3A_57] : memref<10240xi32, #tpu.memory_space<hbm>> -> memref<128xi32, #tpu.memory_space<hbm>>
      %dma_wait3A_59 = tpu.memref_slice %arg5[%add3A_57] : memref<10240xi32, #tpu.memory_space<hbm>> -> memref<128xi32, #tpu.memory_space<hbm>>
      tpu.wait_dma2 semaphore(%run_scoped3A : memref<!tpu.dma_semaphore, #tpu.memory_space<semaphore_mem>>) src(%dma_wait3A_59 : memref<128xi32, #tpu.memory_space<hbm>>) dst(%arg7 : memref<128xi32, #tpu.memory_space<vmem>>)
      tpu.yield
    }) : () -> ()
    "tpu.region"() ({
      %run_scoped3A = tpu.sem_alloc : memref<!tpu.dma_semaphore, #tpu.memory_space<semaphore_mem>>
      %dma_start3A = arith.constant 0 : i32
      %dma_start3A_58 = arith.constant 0 : i32
      %dma_start3A_59 = tpu.memref_slice %arg10[%dma_start3A, %dma_start3A_58] : memref<10240x128xf32, #tpu.memory_space<vmem_shared>> -> memref<10240x128xf32, #tpu.memory_space<vmem_shared>>
      tpu.enqueue_indirect_dma source(%dma_start3A_59 : memref<10240x128xf32, #tpu.memory_space<vmem_shared>>) target(%arg9 : memref<128x128xf32, #tpu.memory_space<vmem>>) offsets(%arg7 : memref<128xi32, #tpu.memory_space<vmem>>) semaphore(%run_scoped3A : memref<!tpu.dma_semaphore, #tpu.memory_space<semaphore_mem>>)
      %dma_wait3A = arith.constant 0 : i32
      %dma_wait3A_60 = arith.constant 0 : i32
      %dma_wait3A_61 = tpu.memref_slice %arg10[%dma_wait3A, %dma_wait3A_60] : memref<10240x128xf32, #tpu.memory_space<vmem_shared>> -> memref<10240x128xf32, #tpu.memory_space<vmem_shared>>
      tpu.wait_indirect_dma semaphore(%run_scoped3A : memref<!tpu.dma_semaphore, #tpu.memory_space<semaphore_mem>>) src(%dma_wait3A_61 : memref<10240x128xf32, #tpu.memory_space<vmem_shared>>) dst(%arg9 : memref<128x128xf32, #tpu.memory_space<vmem>>)
      tpu.yield
    }) : () -> ()
    "tpu.region"() ({
      %run_scoped3A = tpu.sem_alloc : memref<!tpu.dma_semaphore, #tpu.memory_space<semaphore_mem>>
      %dma_start3A = arith.constant 0 : i32
      %dma_start3A_58 = tpu.memref_slice %arg6[%arg0, %add3A_57, %dma_start3A] : memref<2x10240x128xf32, #tpu.memory_space<hbm>> -> memref<1x128x128xf32, #tpu.memory_space<hbm>>
      %dma_start3A_59 = tpu.memref_squeeze %dma_start3A_58 : memref<1x128x128xf32, #tpu.memory_space<hbm>> -> memref<128x128xf32, #tpu.memory_space<hbm>>
      %dma_start3A_60 = arith.constant 0 : i32
      %dma_start3A_61 = tpu.memref_slice %arg6[%arg0, %add3A_57, %dma_start3A_60] : memref<2x10240x128xf32, #tpu.memory_space<hbm>> -> memref<1x128x128xf32, #tpu.memory_space<hbm>>
      %dma_start3A_62 = tpu.memref_squeeze %dma_start3A_61 : memref<1x128x128xf32, #tpu.memory_space<hbm>> -> memref<128x128xf32, #tpu.memory_space<hbm>>
      tpu.enqueue_dma source(%arg9 : memref<128x128xf32, #tpu.memory_space<vmem>>) target(%dma_start3A_62 : memref<128x128xf32, #tpu.memory_space<hbm>>) target_semaphore(%run_scoped3A : memref<!tpu.dma_semaphore, #tpu.memory_space<semaphore_mem>>)
      %dma_wait3A = arith.constant 0 : i32
      %dma_wait3A_63 = tpu.memref_slice %arg6[%arg0, %add3A_57, %dma_wait3A] : memref<2x10240x128xf32, #tpu.memory_space<hbm>> -> memref<1x128x128xf32, #tpu.memory_space<hbm>>
      %dma_wait3A_64 = tpu.memref_squeeze %dma_wait3A_63 : memref<1x128x128xf32, #tpu.memory_space<hbm>> -> memref<128x128xf32, #tpu.memory_space<hbm>>
      %dma_wait3A_65 = arith.constant 0 : i32
      %dma_wait3A_66 = tpu.memref_slice %arg6[%arg0, %add3A_57, %dma_wait3A_65] : memref<2x10240x128xf32, #tpu.memory_space<hbm>> -> memref<1x128x128xf32, #tpu.memory_space<hbm>>
      %dma_wait3A_67 = tpu.memref_squeeze %dma_wait3A_66 : memref<1x128x128xf32, #tpu.memory_space<hbm>> -> memref<128x128xf32, #tpu.memory_space<hbm>>
      tpu.wait_dma2 semaphore(%run_scoped3A : memref<!tpu.dma_semaphore, #tpu.memory_space<semaphore_mem>>) src(%arg9 : memref<128x128xf32, #tpu.memory_space<vmem>>) dst(%dma_wait3A_67 : memref<128x128xf32, #tpu.memory_space<hbm>>)
      tpu.yield
    }) : () -> ()
    return
  }
}

#map = affine_map<(d0, d1) -> (0, 0)>
#map1 = affine_map<(d0, d1) -> (0)>
#map2 = affine_map<(d0, d1) -> (0, 0, 0)>
module attributes {stable_mosaic.version = 14 : i64} {
  func.func @_sc_scatter(%arg0: i32, %arg1: i32, %arg2: memref<10000x128xf32, #tpu.memory_space<hbm>>, %arg3: memref<2x320000xi32, #tpu.memory_space<hbm>>, %arg4: memref<128x128xf32, #tpu.memory_space<hbm>>, %arg5: memref<10240xi32, #tpu.memory_space<hbm>>, %arg6: memref<2x10240x128xf32, #tpu.memory_space<hbm>>, %arg7: memref<128xi32, #tpu.memory_space<vmem>>, %arg8: memref<128xi32, #tpu.memory_space<vmem>>, %arg9: memref<128xi32, #tpu.memory_space<vmem>>, %arg10: memref<128xi32, #tpu.memory_space<vmem>>, %arg11: memref<128x128xf32, #tpu.memory_space<vmem>>, %arg12: memref<128x128xf32, #tpu.memory_space<vmem>>, %arg13: memref<10240x128xf32, #tpu.memory_space<vmem_shared>>, %arg14: memref<!tpu.dma_semaphore, #tpu.memory_space<semaphore_mem>>, %arg15: memref<!tpu.dma_semaphore, #tpu.memory_space<semaphore_mem>>) attributes {dimension_semantics = [#tpu.dimension_semantics<core_parallel>, #tpu.dimension_semantics<subcore_parallel>], iteration_bounds = array<i64: 2, 16>, scalar_prefetch = 0 : i64, scratch_operands = 9 : i64, tpu.core_type = #tpu.core_type<sc_vector_subcore>, window_params = [{transform_indices = #map}, {transform_indices = #map}, {transform_indices = #map}, {transform_indices = #map1}, {transform_indices = #map2}]} {
    %mul3A = arith.constant 16 : i32
    %mul3A_0 = arith.muli %arg0, %mul3A : i32
    %add3A = arith.addi %mul3A_0, %arg1 : i32
    "tpu.region"() ({
      %run_scoped3A = tpu.sem_alloc : memref<!tpu.dma_semaphore, #tpu.memory_space<semaphore_mem>>
      tpu.enqueue_dma source(%arg4 : memref<128x128xf32, #tpu.memory_space<hbm>>) target(%arg11 : memref<128x128xf32, #tpu.memory_space<vmem>>) target_semaphore(%run_scoped3A : memref<!tpu.dma_semaphore, #tpu.memory_space<semaphore_mem>>)
      tpu.wait_dma2 semaphore(%run_scoped3A : memref<!tpu.dma_semaphore, #tpu.memory_space<semaphore_mem>>) src(%arg4 : memref<128x128xf32, #tpu.memory_space<hbm>>) dst(%arg11 : memref<128x128xf32, #tpu.memory_space<vmem>>)
      tpu.yield
    }) : () -> ()
    %mul3A_1 = arith.constant 640 : i32
    %mul3A_2 = arith.muli %arg1, %mul3A_1 : i32
    %add3A_3 = arith.constant 0 : i32
    %add3A_4 = arith.addi %mul3A_2, %add3A_3 : i32
    "tpu.region"() ({
      %run_scoped3A = tpu.sem_alloc : memref<!tpu.dma_semaphore, #tpu.memory_space<semaphore_mem>>
      %dma_start3A = tpu.memref_slice %arg5[%add3A_4] : memref<10240xi32, #tpu.memory_space<hbm>> -> memref<128xi32, #tpu.memory_space<hbm>>
      %dma_start3A_82 = tpu.memref_slice %arg5[%add3A_4] : memref<10240xi32, #tpu.memory_space<hbm>> -> memref<128xi32, #tpu.memory_space<hbm>>
      tpu.enqueue_dma source(%dma_start3A_82 : memref<128xi32, #tpu.memory_space<hbm>>) target(%arg8 : memref<128xi32, #tpu.memory_space<vmem>>) target_semaphore(%run_scoped3A : memref<!tpu.dma_semaphore, #tpu.memory_space<semaphore_mem>>)
      %dma_wait3A = tpu.memref_slice %arg5[%add3A_4] : memref<10240xi32, #tpu.memory_space<hbm>> -> memref<128xi32, #tpu.memory_space<hbm>>
      %dma_wait3A_83 = tpu.memref_slice %arg5[%add3A_4] : memref<10240xi32, #tpu.memory_space<hbm>> -> memref<128xi32, #tpu.memory_space<hbm>>
      tpu.wait_dma2 semaphore(%run_scoped3A : memref<!tpu.dma_semaphore, #tpu.memory_space<semaphore_mem>>) src(%dma_wait3A_83 : memref<128xi32, #tpu.memory_space<hbm>>) dst(%arg8 : memref<128xi32, #tpu.memory_space<vmem>>)
      tpu.yield
    }) : () -> ()
    "tpu.region"() ({
      %run_scoped3A = tpu.sem_alloc : memref<!tpu.dma_semaphore, #tpu.memory_space<semaphore_mem>>
      %dma_start3A = arith.constant 0 : i32
      %dma_start3A_82 = arith.constant 0 : i32
      %dma_start3A_83 = tpu.memref_slice %arg13[%dma_start3A, %dma_start3A_82] : memref<10240x128xf32, #tpu.memory_space<vmem_shared>> -> memref<10240x128xf32, #tpu.memory_space<vmem_shared>>
      tpu.enqueue_indirect_dma source(%arg11 : memref<128x128xf32, #tpu.memory_space<vmem>>) target(%dma_start3A_83 : memref<10240x128xf32, #tpu.memory_space<vmem_shared>>) offsets(%arg8 : memref<128xi32, #tpu.memory_space<vmem>>) semaphore(%run_scoped3A : memref<!tpu.dma_semaphore, #tpu.memory_space<semaphore_mem>>)
      %dma_wait3A = arith.constant 0 : i32
      %dma_wait3A_84 = arith.constant 0 : i32
      %dma_wait3A_85 = tpu.memref_slice %arg13[%dma_wait3A, %dma_wait3A_84] : memref<10240x128xf32, #tpu.memory_space<vmem_shared>> -> memref<10240x128xf32, #tpu.memory_space<vmem_shared>>
      tpu.wait_indirect_dma semaphore(%run_scoped3A : memref<!tpu.dma_semaphore, #tpu.memory_space<semaphore_mem>>) src(%arg11 : memref<128x128xf32, #tpu.memory_space<vmem>>) dst(%dma_wait3A_85 : memref<10240x128xf32, #tpu.memory_space<vmem_shared>>)
      tpu.yield
    }) : () -> ()
    %mul3A_5 = arith.constant 640 : i32
    %mul3A_6 = arith.muli %arg1, %mul3A_5 : i32
    %add3A_7 = arith.constant 128 : i32
    %add3A_8 = arith.addi %mul3A_6, %add3A_7 : i32
    "tpu.region"() ({
      %run_scoped3A = tpu.sem_alloc : memref<!tpu.dma_semaphore, #tpu.memory_space<semaphore_mem>>
      %dma_start3A = tpu.memref_slice %arg5[%add3A_8] : memref<10240xi32, #tpu.memory_space<hbm>> -> memref<128xi32, #tpu.memory_space<hbm>>
      %dma_start3A_82 = tpu.memref_slice %arg5[%add3A_8] : memref<10240xi32, #tpu.memory_space<hbm>> -> memref<128xi32, #tpu.memory_space<hbm>>
      tpu.enqueue_dma source(%dma_start3A_82 : memref<128xi32, #tpu.memory_space<hbm>>) target(%arg8 : memref<128xi32, #tpu.memory_space<vmem>>) target_semaphore(%run_scoped3A : memref<!tpu.dma_semaphore, #tpu.memory_space<semaphore_mem>>)
      %dma_wait3A = tpu.memref_slice %arg5[%add3A_8] : memref<10240xi32, #tpu.memory_space<hbm>> -> memref<128xi32, #tpu.memory_space<hbm>>
      %dma_wait3A_83 = tpu.memref_slice %arg5[%add3A_8] : memref<10240xi32, #tpu.memory_space<hbm>> -> memref<128xi32, #tpu.memory_space<hbm>>
      tpu.wait_dma2 semaphore(%run_scoped3A : memref<!tpu.dma_semaphore, #tpu.memory_space<semaphore_mem>>) src(%dma_wait3A_83 : memref<128xi32, #tpu.memory_space<hbm>>) dst(%arg8 : memref<128xi32, #tpu.memory_space<vmem>>)
      tpu.yield
    }) : () -> ()
    "tpu.region"() ({
      %run_scoped3A = tpu.sem_alloc : memref<!tpu.dma_semaphore, #tpu.memory_space<semaphore_mem>>
      %dma_start3A = arith.constant 0 : i32
      %dma_start3A_82 = arith.constant 0 : i32
      %dma_start3A_83 = tpu.memref_slice %arg13[%dma_start3A, %dma_start3A_82] : memref<10240x128xf32, #tpu.memory_space<vmem_shared>> -> memref<10240x128xf32, #tpu.memory_space<vmem_shared>>
      tpu.enqueue_indirect_dma source(%arg11 : memref<128x128xf32, #tpu.memory_space<vmem>>) target(%dma_start3A_83 : memref<10240x128xf32, #tpu.memory_space<vmem_shared>>) offsets(%arg8 : memref<128xi32, #tpu.memory_space<vmem>>) semaphore(%run_scoped3A : memref<!tpu.dma_semaphore, #tpu.memory_space<semaphore_mem>>)
      %dma_wait3A = arith.constant 0 : i32
      %dma_wait3A_84 = arith.constant 0 : i32
      %dma_wait3A_85 = tpu.memref_slice %arg13[%dma_wait3A, %dma_wait3A_84] : memref<10240x128xf32, #tpu.memory_space<vmem_shared>> -> memref<10240x128xf32, #tpu.memory_space<vmem_shared>>
      tpu.wait_indirect_dma semaphore(%run_scoped3A : memref<!tpu.dma_semaphore, #tpu.memory_space<semaphore_mem>>) src(%arg11 : memref<128x128xf32, #tpu.memory_space<vmem>>) dst(%dma_wait3A_85 : memref<10240x128xf32, #tpu.memory_space<vmem_shared>>)
      tpu.yield
    }) : () -> ()
    %mul3A_9 = arith.constant 640 : i32
    %mul3A_10 = arith.muli %arg1, %mul3A_9 : i32
    %add3A_11 = arith.constant 256 : i32
    %add3A_12 = arith.addi %mul3A_10, %add3A_11 : i32
    "tpu.region"() ({
      %run_scoped3A = tpu.sem_alloc : memref<!tpu.dma_semaphore, #tpu.memory_space<semaphore_mem>>
      %dma_start3A = tpu.memref_slice %arg5[%add3A_12] : memref<10240xi32, #tpu.memory_space<hbm>> -> memref<128xi32, #tpu.memory_space<hbm>>
      %dma_start3A_82 = tpu.memref_slice %arg5[%add3A_12] : memref<10240xi32, #tpu.memory_space<hbm>> -> memref<128xi32, #tpu.memory_space<hbm>>
      tpu.enqueue_dma source(%dma_start3A_82 : memref<128xi32, #tpu.memory_space<hbm>>) target(%arg8 : memref<128xi32, #tpu.memory_space<vmem>>) target_semaphore(%run_scoped3A : memref<!tpu.dma_semaphore, #tpu.memory_space<semaphore_mem>>)
      %dma_wait3A = tpu.memref_slice %arg5[%add3A_12] : memref<10240xi32, #tpu.memory_space<hbm>> -> memref<128xi32, #tpu.memory_space<hbm>>
      %dma_wait3A_83 = tpu.memref_slice %arg5[%add3A_12] : memref<10240xi32, #tpu.memory_space<hbm>> -> memref<128xi32, #tpu.memory_space<hbm>>
      tpu.wait_dma2 semaphore(%run_scoped3A : memref<!tpu.dma_semaphore, #tpu.memory_space<semaphore_mem>>) src(%dma_wait3A_83 : memref<128xi32, #tpu.memory_space<hbm>>) dst(%arg8 : memref<128xi32, #tpu.memory_space<vmem>>)
      tpu.yield
    }) : () -> ()
    "tpu.region"() ({
      %run_scoped3A = tpu.sem_alloc : memref<!tpu.dma_semaphore, #tpu.memory_space<semaphore_mem>>
      %dma_start3A = arith.constant 0 : i32
      %dma_start3A_82 = arith.constant 0 : i32
      %dma_start3A_83 = tpu.memref_slice %arg13[%dma_start3A, %dma_start3A_82] : memref<10240x128xf32, #tpu.memory_space<vmem_shared>> -> memref<10240x128xf32, #tpu.memory_space<vmem_shared>>
      tpu.enqueue_indirect_dma source(%arg11 : memref<128x128xf32, #tpu.memory_space<vmem>>) target(%dma_start3A_83 : memref<10240x128xf32, #tpu.memory_space<vmem_shared>>) offsets(%arg8 : memref<128xi32, #tpu.memory_space<vmem>>) semaphore(%run_scoped3A : memref<!tpu.dma_semaphore, #tpu.memory_space<semaphore_mem>>)
      %dma_wait3A = arith.constant 0 : i32
      %dma_wait3A_84 = arith.constant 0 : i32
      %dma_wait3A_85 = tpu.memref_slice %arg13[%dma_wait3A, %dma_wait3A_84] : memref<10240x128xf32, #tpu.memory_space<vmem_shared>> -> memref<10240x128xf32, #tpu.memory_space<vmem_shared>>
      tpu.wait_indirect_dma semaphore(%run_scoped3A : memref<!tpu.dma_semaphore, #tpu.memory_space<semaphore_mem>>) src(%arg11 : memref<128x128xf32, #tpu.memory_space<vmem>>) dst(%dma_wait3A_85 : memref<10240x128xf32, #tpu.memory_space<vmem_shared>>)
      tpu.yield
    }) : () -> ()
    %mul3A_13 = arith.constant 640 : i32
    %mul3A_14 = arith.muli %arg1, %mul3A_13 : i32
    %add3A_15 = arith.constant 384 : i32
    %add3A_16 = arith.addi %mul3A_14, %add3A_15 : i32
    "tpu.region"() ({
      %run_scoped3A = tpu.sem_alloc : memref<!tpu.dma_semaphore, #tpu.memory_space<semaphore_mem>>
      %dma_start3A = tpu.memref_slice %arg5[%add3A_16] : memref<10240xi32, #tpu.memory_space<hbm>> -> memref<128xi32, #tpu.memory_space<hbm>>
      %dma_start3A_82 = tpu.memref_slice %arg5[%add3A_16] : memref<10240xi32, #tpu.memory_space<hbm>> -> memref<128xi32, #tpu.memory_space<hbm>>
      tpu.enqueue_dma source(%dma_start3A_82 : memref<128xi32, #tpu.memory_space<hbm>>) target(%arg8 : memref<128xi32, #tpu.memory_space<vmem>>) target_semaphore(%run_scoped3A : memref<!tpu.dma_semaphore, #tpu.memory_space<semaphore_mem>>)
      %dma_wait3A = tpu.memref_slice %arg5[%add3A_16] : memref<10240xi32, #tpu.memory_space<hbm>> -> memref<128xi32, #tpu.memory_space<hbm>>
      %dma_wait3A_83 = tpu.memref_slice %arg5[%add3A_16] : memref<10240xi32, #tpu.memory_space<hbm>> -> memref<128xi32, #tpu.memory_space<hbm>>
      tpu.wait_dma2 semaphore(%run_scoped3A : memref<!tpu.dma_semaphore, #tpu.memory_space<semaphore_mem>>) src(%dma_wait3A_83 : memref<128xi32, #tpu.memory_space<hbm>>) dst(%arg8 : memref<128xi32, #tpu.memory_space<vmem>>)
      tpu.yield
    }) : () -> ()
    "tpu.region"() ({
      %run_scoped3A = tpu.sem_alloc : memref<!tpu.dma_semaphore, #tpu.memory_space<semaphore_mem>>
      %dma_start3A = arith.constant 0 : i32
      %dma_start3A_82 = arith.constant 0 : i32
      %dma_start3A_83 = tpu.memref_slice %arg13[%dma_start3A, %dma_start3A_82] : memref<10240x128xf32, #tpu.memory_space<vmem_shared>> -> memref<10240x128xf32, #tpu.memory_space<vmem_shared>>
      tpu.enqueue_indirect_dma source(%arg11 : memref<128x128xf32, #tpu.memory_space<vmem>>) target(%dma_start3A_83 : memref<10240x128xf32, #tpu.memory_space<vmem_shared>>) offsets(%arg8 : memref<128xi32, #tpu.memory_space<vmem>>) semaphore(%run_scoped3A : memref<!tpu.dma_semaphore, #tpu.memory_space<semaphore_mem>>)
      %dma_wait3A = arith.constant 0 : i32
      %dma_wait3A_84 = arith.constant 0 : i32
      %dma_wait3A_85 = tpu.memref_slice %arg13[%dma_wait3A, %dma_wait3A_84] : memref<10240x128xf32, #tpu.memory_space<vmem_shared>> -> memref<10240x128xf32, #tpu.memory_space<vmem_shared>>
      tpu.wait_indirect_dma semaphore(%run_scoped3A : memref<!tpu.dma_semaphore, #tpu.memory_space<semaphore_mem>>) src(%arg11 : memref<128x128xf32, #tpu.memory_space<vmem>>) dst(%dma_wait3A_85 : memref<10240x128xf32, #tpu.memory_space<vmem_shared>>)
      tpu.yield
    }) : () -> ()
    %mul3A_17 = arith.constant 640 : i32
    %mul3A_18 = arith.muli %arg1, %mul3A_17 : i32
    %add3A_19 = arith.constant 512 : i32
    %add3A_20 = arith.addi %mul3A_18, %add3A_19 : i32
    "tpu.region"() ({
      %run_scoped3A = tpu.sem_alloc : memref<!tpu.dma_semaphore, #tpu.memory_space<semaphore_mem>>
      %dma_start3A = tpu.memref_slice %arg5[%add3A_20] : memref<10240xi32, #tpu.memory_space<hbm>> -> memref<128xi32, #tpu.memory_space<hbm>>
      %dma_start3A_82 = tpu.memref_slice %arg5[%add3A_20] : memref<10240xi32, #tpu.memory_space<hbm>> -> memref<128xi32, #tpu.memory_space<hbm>>
      tpu.enqueue_dma source(%dma_start3A_82 : memref<128xi32, #tpu.memory_space<hbm>>) target(%arg8 : memref<128xi32, #tpu.memory_space<vmem>>) target_semaphore(%run_scoped3A : memref<!tpu.dma_semaphore, #tpu.memory_space<semaphore_mem>>)
      %dma_wait3A = tpu.memref_slice %arg5[%add3A_20] : memref<10240xi32, #tpu.memory_space<hbm>> -> memref<128xi32, #tpu.memory_space<hbm>>
      %dma_wait3A_83 = tpu.memref_slice %arg5[%add3A_20] : memref<10240xi32, #tpu.memory_space<hbm>> -> memref<128xi32, #tpu.memory_space<hbm>>
      tpu.wait_dma2 semaphore(%run_scoped3A : memref<!tpu.dma_semaphore, #tpu.memory_space<semaphore_mem>>) src(%dma_wait3A_83 : memref<128xi32, #tpu.memory_space<hbm>>) dst(%arg8 : memref<128xi32, #tpu.memory_space<vmem>>)
      tpu.yield
    }) : () -> ()
    "tpu.region"() ({
      %run_scoped3A = tpu.sem_alloc : memref<!tpu.dma_semaphore, #tpu.memory_space<semaphore_mem>>
      %dma_start3A = arith.constant 0 : i32
      %dma_start3A_82 = arith.constant 0 : i32
      %dma_start3A_83 = tpu.memref_slice %arg13[%dma_start3A, %dma_start3A_82] : memref<10240x128xf32, #tpu.memory_space<vmem_shared>> -> memref<10240x128xf32, #tpu.memory_space<vmem_shared>>
      tpu.enqueue_indirect_dma source(%arg11 : memref<128x128xf32, #tpu.memory_space<vmem>>) target(%dma_start3A_83 : memref<10240x128xf32, #tpu.memory_space<vmem_shared>>) offsets(%arg8 : memref<128xi32, #tpu.memory_space<vmem>>) semaphore(%run_scoped3A : memref<!tpu.dma_semaphore, #tpu.memory_space<semaphore_mem>>)
      %dma_wait3A = arith.constant 0 : i32
      %dma_wait3A_84 = arith.constant 0 : i32
      %dma_wait3A_85 = tpu.memref_slice %arg13[%dma_wait3A, %dma_wait3A_84] : memref<10240x128xf32, #tpu.memory_space<vmem_shared>> -> memref<10240x128xf32, #tpu.memory_space<vmem_shared>>
      tpu.wait_indirect_dma semaphore(%run_scoped3A : memref<!tpu.dma_semaphore, #tpu.memory_space<semaphore_mem>>) src(%arg11 : memref<128x128xf32, #tpu.memory_space<vmem>>) dst(%dma_wait3A_85 : memref<10240x128xf32, #tpu.memory_space<vmem_shared>>)
      tpu.yield
    }) : () -> ()
    %barrier3A = arith.constant 0 : index
    tpu.barrier barrier_id(%barrier3A)
    %mul3A_21 = arith.constant 78 : i32
    %mul3A_22 = arith.muli %add3A, %mul3A_21 : i32
    %min3A = arith.constant 4 : i32
    %min3A_23 = arith.minsi %add3A, %min3A : i32
    %add3A_24 = arith.addi %mul3A_22, %min3A_23 : i32
    %lt3A = arith.constant 4 : i32
    %lt3A_25 = arith.cmpi slt, %add3A, %lt3A : i32
    %jit3A = arith.constant 1 : i32
    %jit3A_26 = arith.constant 0 : i32
    %select_n3A = arith.select %lt3A_25, %jit3A, %jit3A_26 : i32
    %add3A_27 = arith.constant 78 : i32
    %add3A_28 = arith.addi %add3A_27, %select_n3A : i32
    %add3A_29 = arith.addi %add3A_24, %add3A_28 : i32
    %sub3A = arith.subi %add3A_29, %add3A_24 : i32
    %jit3A_30 = arith.constant 2 : i32
    %div3A = arith.divsi %sub3A, %jit3A_30 : i32
    %sign3A = arith.constant 0 : i32
    %sign3A_31 = arith.cmpi sgt, %sub3A, %sign3A : i32
    %sign3A_32 = arith.extui %sign3A_31 : i1 to i32
    %sign3A_33 = arith.constant 0 : i32
    %sign3A_34 = arith.cmpi slt, %sub3A, %sign3A_33 : i32
    %sign3A_35 = arith.extui %sign3A_34 : i1 to i32
    %sign3A_36 = arith.subi %sign3A_32, %sign3A_35 : i32
    %sign3A_37 = arith.constant 0 : i32
    %sign3A_38 = arith.cmpi sgt, %jit3A_30, %sign3A_37 : i32
    %sign3A_39 = arith.extui %sign3A_38 : i1 to i32
    %sign3A_40 = arith.constant 0 : i32
    %sign3A_41 = arith.cmpi slt, %jit3A_30, %sign3A_40 : i32
    %sign3A_42 = arith.extui %sign3A_41 : i1 to i32
    %sign3A_43 = arith.subi %sign3A_39, %sign3A_42 : i32
    %ne3A = arith.cmpi ne, %sign3A_36, %sign3A_43 : i32
    %rem3A = arith.remsi %sub3A, %jit3A_30 : i32
    %ne3A_44 = arith.constant 0 : i32
    %ne3A_45 = arith.cmpi ne, %rem3A, %ne3A_44 : i32
    %and3A = arith.andi %ne3A, %ne3A_45 : i1
    %sub3A_46 = arith.constant 1 : i32
    %sub3A_47 = arith.subi %div3A, %sub3A_46 : i32
    %select_n3A_48 = arith.select %and3A, %sub3A_47, %div3A : i32
    %while3A = arith.constant 0 : i32
    %while3A_49 = arith.subi %select_n3A_48, %while3A : i32
    %while3A_50 = arith.addi %while3A, %while3A_49 : i32
    %while3A_51 = arith.constant 1 : i32
    %while3A_52 = arith.divsi %while3A_49, %while3A_51 : i32
    %while3A_53 = arith.muli %while3A_52, %while3A_51 : i32
    %while3A_54 = arith.addi %while3A, %while3A_53 : i32
    %while3A_55 = arith.constant 1 : i32
    scf.for %while3A_82 = %while3A to %while3A_54 step %while3A_55  : i32 {
      %mul3A_83 = arith.constant 2 : i32
      %mul3A_84 = arith.muli %mul3A_83, %while3A_82 : i32
      %add3A_85 = arith.addi %add3A_24, %mul3A_84 : i32
      %mul3A_86 = arith.constant 128 : i32
      %mul3A_87 = arith.muli %add3A_85, %mul3A_86 : i32
      %add3A_88 = arith.constant 128 : i32
      %add3A_89 = arith.addi %mul3A_87, %add3A_88 : i32
      %run_scoped3A = arith.constant 0 : i32
      "tpu.region"() ({
        %run_scoped3A_103 = tpu.sem_alloc : memref<!tpu.dma_semaphore, #tpu.memory_space<semaphore_mem>>
        %dma_start3A_104 = tpu.memref_slice %arg3[%run_scoped3A, %mul3A_87] : memref<2x320000xi32, #tpu.memory_space<hbm>> -> memref<1x128xi32, #tpu.memory_space<hbm>>
        %dma_start3A_105 = tpu.memref_squeeze %dma_start3A_104 : memref<1x128xi32, #tpu.memory_space<hbm>> -> memref<128xi32, #tpu.memory_space<hbm>>
        %dma_start3A_106 = tpu.memref_slice %arg3[%run_scoped3A, %mul3A_87] : memref<2x320000xi32, #tpu.memory_space<hbm>> -> memref<1x128xi32, #tpu.memory_space<hbm>>
        %dma_start3A_107 = tpu.memref_squeeze %dma_start3A_106 : memref<1x128xi32, #tpu.memory_space<hbm>> -> memref<128xi32, #tpu.memory_space<hbm>>
        tpu.enqueue_dma source(%dma_start3A_107 : memref<128xi32, #tpu.memory_space<hbm>>) target(%arg7 : memref<128xi32, #tpu.memory_space<vmem>>) target_semaphore(%run_scoped3A_103 : memref<!tpu.dma_semaphore, #tpu.memory_space<semaphore_mem>>)
        %dma_wait3A_108 = tpu.memref_slice %arg3[%run_scoped3A, %mul3A_87] : memref<2x320000xi32, #tpu.memory_space<hbm>> -> memref<1x128xi32, #tpu.memory_space<hbm>>
        %dma_wait3A_109 = tpu.memref_squeeze %dma_wait3A_108 : memref<1x128xi32, #tpu.memory_space<hbm>> -> memref<128xi32, #tpu.memory_space<hbm>>
        %dma_wait3A_110 = tpu.memref_slice %arg3[%run_scoped3A, %mul3A_87] : memref<2x320000xi32, #tpu.memory_space<hbm>> -> memref<1x128xi32, #tpu.memory_space<hbm>>
        %dma_wait3A_111 = tpu.memref_squeeze %dma_wait3A_110 : memref<1x128xi32, #tpu.memory_space<hbm>> -> memref<128xi32, #tpu.memory_space<hbm>>
        tpu.wait_dma2 semaphore(%run_scoped3A_103 : memref<!tpu.dma_semaphore, #tpu.memory_space<semaphore_mem>>) src(%dma_wait3A_111 : memref<128xi32, #tpu.memory_space<hbm>>) dst(%arg7 : memref<128xi32, #tpu.memory_space<vmem>>)
        tpu.yield
      }) : () -> ()
      %run_scoped3A_90 = arith.constant 1 : i32
      "tpu.region"() ({
        %run_scoped3A_103 = tpu.sem_alloc : memref<!tpu.dma_semaphore, #tpu.memory_space<semaphore_mem>>
        %dma_start3A_104 = tpu.memref_slice %arg3[%run_scoped3A_90, %mul3A_87] : memref<2x320000xi32, #tpu.memory_space<hbm>> -> memref<1x128xi32, #tpu.memory_space<hbm>>
        %dma_start3A_105 = tpu.memref_squeeze %dma_start3A_104 : memref<1x128xi32, #tpu.memory_space<hbm>> -> memref<128xi32, #tpu.memory_space<hbm>>
        %dma_start3A_106 = tpu.memref_slice %arg3[%run_scoped3A_90, %mul3A_87] : memref<2x320000xi32, #tpu.memory_space<hbm>> -> memref<1x128xi32, #tpu.memory_space<hbm>>
        %dma_start3A_107 = tpu.memref_squeeze %dma_start3A_106 : memref<1x128xi32, #tpu.memory_space<hbm>> -> memref<128xi32, #tpu.memory_space<hbm>>
        tpu.enqueue_dma source(%dma_start3A_107 : memref<128xi32, #tpu.memory_space<hbm>>) target(%arg8 : memref<128xi32, #tpu.memory_space<vmem>>) target_semaphore(%run_scoped3A_103 : memref<!tpu.dma_semaphore, #tpu.memory_space<semaphore_mem>>)
        %dma_wait3A_108 = tpu.memref_slice %arg3[%run_scoped3A_90, %mul3A_87] : memref<2x320000xi32, #tpu.memory_space<hbm>> -> memref<1x128xi32, #tpu.memory_space<hbm>>
        %dma_wait3A_109 = tpu.memref_squeeze %dma_wait3A_108 : memref<1x128xi32, #tpu.memory_space<hbm>> -> memref<128xi32, #tpu.memory_space<hbm>>
        %dma_wait3A_110 = tpu.memref_slice %arg3[%run_scoped3A_90, %mul3A_87] : memref<2x320000xi32, #tpu.memory_space<hbm>> -> memref<1x128xi32, #tpu.memory_space<hbm>>
        %dma_wait3A_111 = tpu.memref_squeeze %dma_wait3A_110 : memref<1x128xi32, #tpu.memory_space<hbm>> -> memref<128xi32, #tpu.memory_space<hbm>>
        tpu.wait_dma2 semaphore(%run_scoped3A_103 : memref<!tpu.dma_semaphore, #tpu.memory_space<semaphore_mem>>) src(%dma_wait3A_111 : memref<128xi32, #tpu.memory_space<hbm>>) dst(%arg8 : memref<128xi32, #tpu.memory_space<vmem>>)
        tpu.yield
      }) : () -> ()
      %dma_start3A = arith.constant 0 : i32
      %dma_start3A_91 = arith.constant 0 : i32
      %dma_start3A_92 = tpu.memref_slice %arg2[%dma_start3A, %dma_start3A_91] : memref<10000x128xf32, #tpu.memory_space<hbm>> -> memref<10000x128xf32, #tpu.memory_space<hbm>>
      tpu.enqueue_indirect_dma source(%dma_start3A_92 : memref<10000x128xf32, #tpu.memory_space<hbm>>) target(%arg11 : memref<128x128xf32, #tpu.memory_space<vmem>>) offsets(%arg7 : memref<128xi32, #tpu.memory_space<vmem>>) semaphore(%arg14 : memref<!tpu.dma_semaphore, #tpu.memory_space<semaphore_mem>>)
      %run_scoped3A_93 = arith.constant 0 : i32
      "tpu.region"() ({
        %run_scoped3A_103 = tpu.sem_alloc : memref<!tpu.dma_semaphore, #tpu.memory_space<semaphore_mem>>
        %dma_start3A_104 = tpu.memref_slice %arg3[%run_scoped3A_93, %add3A_89] : memref<2x320000xi32, #tpu.memory_space<hbm>> -> memref<1x128xi32, #tpu.memory_space<hbm>>
        %dma_start3A_105 = tpu.memref_squeeze %dma_start3A_104 : memref<1x128xi32, #tpu.memory_space<hbm>> -> memref<128xi32, #tpu.memory_space<hbm>>
        %dma_start3A_106 = tpu.memref_slice %arg3[%run_scoped3A_93, %add3A_89] : memref<2x320000xi32, #tpu.memory_space<hbm>> -> memref<1x128xi32, #tpu.memory_space<hbm>>
        %dma_start3A_107 = tpu.memref_squeeze %dma_start3A_106 : memref<1x128xi32, #tpu.memory_space<hbm>> -> memref<128xi32, #tpu.memory_space<hbm>>
        tpu.enqueue_dma source(%dma_start3A_107 : memref<128xi32, #tpu.memory_space<hbm>>) target(%arg9 : memref<128xi32, #tpu.memory_space<vmem>>) target_semaphore(%run_scoped3A_103 : memref<!tpu.dma_semaphore, #tpu.memory_space<semaphore_mem>>)
        %dma_wait3A_108 = tpu.memref_slice %arg3[%run_scoped3A_93, %add3A_89] : memref<2x320000xi32, #tpu.memory_space<hbm>> -> memref<1x128xi32, #tpu.memory_space<hbm>>
        %dma_wait3A_109 = tpu.memref_squeeze %dma_wait3A_108 : memref<1x128xi32, #tpu.memory_space<hbm>> -> memref<128xi32, #tpu.memory_space<hbm>>
        %dma_wait3A_110 = tpu.memref_slice %arg3[%run_scoped3A_93, %add3A_89] : memref<2x320000xi32, #tpu.memory_space<hbm>> -> memref<1x128xi32, #tpu.memory_space<hbm>>
        %dma_wait3A_111 = tpu.memref_squeeze %dma_wait3A_110 : memref<1x128xi32, #tpu.memory_space<hbm>> -> memref<128xi32, #tpu.memory_space<hbm>>
        tpu.wait_dma2 semaphore(%run_scoped3A_103 : memref<!tpu.dma_semaphore, #tpu.memory_space<semaphore_mem>>) src(%dma_wait3A_111 : memref<128xi32, #tpu.memory_space<hbm>>) dst(%arg9 : memref<128xi32, #tpu.memory_space<vmem>>)
        tpu.yield
      }) : () -> ()
      %run_scoped3A_94 = arith.constant 1 : i32
      "tpu.region"() ({
        %run_scoped3A_103 = tpu.sem_alloc : memref<!tpu.dma_semaphore, #tpu.memory_space<semaphore_mem>>
        %dma_start3A_104 = tpu.memref_slice %arg3[%run_scoped3A_94, %add3A_89] : memref<2x320000xi32, #tpu.memory_space<hbm>> -> memref<1x128xi32, #tpu.memory_space<hbm>>
        %dma_start3A_105 = tpu.memref_squeeze %dma_start3A_104 : memref<1x128xi32, #tpu.memory_space<hbm>> -> memref<128xi32, #tpu.memory_space<hbm>>
        %dma_start3A_106 = tpu.memref_slice %arg3[%run_scoped3A_94, %add3A_89] : memref<2x320000xi32, #tpu.memory_space<hbm>> -> memref<1x128xi32, #tpu.memory_space<hbm>>
        %dma_start3A_107 = tpu.memref_squeeze %dma_start3A_106 : memref<1x128xi32, #tpu.memory_space<hbm>> -> memref<128xi32, #tpu.memory_space<hbm>>
        tpu.enqueue_dma source(%dma_start3A_107 : memref<128xi32, #tpu.memory_space<hbm>>) target(%arg10 : memref<128xi32, #tpu.memory_space<vmem>>) target_semaphore(%run_scoped3A_103 : memref<!tpu.dma_semaphore, #tpu.memory_space<semaphore_mem>>)
        %dma_wait3A_108 = tpu.memref_slice %arg3[%run_scoped3A_94, %add3A_89] : memref<2x320000xi32, #tpu.memory_space<hbm>> -> memref<1x128xi32, #tpu.memory_space<hbm>>
        %dma_wait3A_109 = tpu.memref_squeeze %dma_wait3A_108 : memref<1x128xi32, #tpu.memory_space<hbm>> -> memref<128xi32, #tpu.memory_space<hbm>>
        %dma_wait3A_110 = tpu.memref_slice %arg3[%run_scoped3A_94, %add3A_89] : memref<2x320000xi32, #tpu.memory_space<hbm>> -> memref<1x128xi32, #tpu.memory_space<hbm>>
        %dma_wait3A_111 = tpu.memref_squeeze %dma_wait3A_110 : memref<1x128xi32, #tpu.memory_space<hbm>> -> memref<128xi32, #tpu.memory_space<hbm>>
        tpu.wait_dma2 semaphore(%run_scoped3A_103 : memref<!tpu.dma_semaphore, #tpu.memory_space<semaphore_mem>>) src(%dma_wait3A_111 : memref<128xi32, #tpu.memory_space<hbm>>) dst(%arg10 : memref<128xi32, #tpu.memory_space<vmem>>)
        tpu.yield
      }) : () -> ()
      %dma_start3A_95 = arith.constant 0 : i32
      %dma_start3A_96 = arith.constant 0 : i32
      %dma_start3A_97 = tpu.memref_slice %arg2[%dma_start3A_95, %dma_start3A_96] : memref<10000x128xf32, #tpu.memory_space<hbm>> -> memref<10000x128xf32, #tpu.memory_space<hbm>>
      tpu.enqueue_indirect_dma source(%dma_start3A_97 : memref<10000x128xf32, #tpu.memory_space<hbm>>) target(%arg12 : memref<128x128xf32, #tpu.memory_space<vmem>>) offsets(%arg9 : memref<128xi32, #tpu.memory_space<vmem>>) semaphore(%arg15 : memref<!tpu.dma_semaphore, #tpu.memory_space<semaphore_mem>>)
      %dma_wait3A = arith.constant 0 : i32
      %dma_wait3A_98 = arith.constant 0 : i32
      %dma_wait3A_99 = tpu.memref_slice %arg2[%dma_wait3A, %dma_wait3A_98] : memref<10000x128xf32, #tpu.memory_space<hbm>> -> memref<10000x128xf32, #tpu.memory_space<hbm>>
      tpu.wait_indirect_dma semaphore(%arg14 : memref<!tpu.dma_semaphore, #tpu.memory_space<semaphore_mem>>) src(%dma_wait3A_99 : memref<10000x128xf32, #tpu.memory_space<hbm>>) dst(%arg11 : memref<128x128xf32, #tpu.memory_space<vmem>>)
      "tpu.region"() ({
        %run_scoped3A_103 = tpu.sem_alloc : memref<!tpu.dma_semaphore, #tpu.memory_space<semaphore_mem>>
        %dma_start3A_104 = arith.constant 0 : i32
        %dma_start3A_105 = arith.constant 0 : i32
        %dma_start3A_106 = tpu.memref_slice %arg13[%dma_start3A_104, %dma_start3A_105] : memref<10240x128xf32, #tpu.memory_space<vmem_shared>> -> memref<10240x128xf32, #tpu.memory_space<vmem_shared>>
        tpu.enqueue_indirect_dma source(%arg11 : memref<128x128xf32, #tpu.memory_space<vmem>>) target(%dma_start3A_106 : memref<10240x128xf32, #tpu.memory_space<vmem_shared>>) offsets(%arg8 : memref<128xi32, #tpu.memory_space<vmem>>) semaphore(%run_scoped3A_103 : memref<!tpu.dma_semaphore, #tpu.memory_space<semaphore_mem>>) {add = true}
        %dma_wait3A_107 = arith.constant 0 : i32
        %dma_wait3A_108 = arith.constant 0 : i32
        %dma_wait3A_109 = tpu.memref_slice %arg13[%dma_wait3A_107, %dma_wait3A_108] : memref<10240x128xf32, #tpu.memory_space<vmem_shared>> -> memref<10240x128xf32, #tpu.memory_space<vmem_shared>>
        tpu.wait_indirect_dma semaphore(%run_scoped3A_103 : memref<!tpu.dma_semaphore, #tpu.memory_space<semaphore_mem>>) src(%arg11 : memref<128x128xf32, #tpu.memory_space<vmem>>) dst(%dma_wait3A_109 : memref<10240x128xf32, #tpu.memory_space<vmem_shared>>)
        tpu.yield
      }) : () -> ()
      %dma_wait3A_100 = arith.constant 0 : i32
      %dma_wait3A_101 = arith.constant 0 : i32
      %dma_wait3A_102 = tpu.memref_slice %arg2[%dma_wait3A_100, %dma_wait3A_101] : memref<10000x128xf32, #tpu.memory_space<hbm>> -> memref<10000x128xf32, #tpu.memory_space<hbm>>
      tpu.wait_indirect_dma semaphore(%arg15 : memref<!tpu.dma_semaphore, #tpu.memory_space<semaphore_mem>>) src(%dma_wait3A_102 : memref<10000x128xf32, #tpu.memory_space<hbm>>) dst(%arg12 : memref<128x128xf32, #tpu.memory_space<vmem>>)
      "tpu.region"() ({
        %run_scoped3A_103 = tpu.sem_alloc : memref<!tpu.dma_semaphore, #tpu.memory_space<semaphore_mem>>
        %dma_start3A_104 = arith.constant 0 : i32
        %dma_start3A_105 = arith.constant 0 : i32
        %dma_start3A_106 = tpu.memref_slice %arg13[%dma_start3A_104, %dma_start3A_105] : memref<10240x128xf32, #tpu.memory_space<vmem_shared>> -> memref<10240x128xf32, #tpu.memory_space<vmem_shared>>
        tpu.enqueue_indirect_dma source(%arg12 : memref<128x128xf32, #tpu.memory_space<vmem>>) target(%dma_start3A_106 : memref<10240x128xf32, #tpu.memory_space<vmem_shared>>) offsets(%arg10 : memref<128xi32, #tpu.memory_space<vmem>>) semaphore(%run_scoped3A_103 : memref<!tpu.dma_semaphore, #tpu.memory_space<semaphore_mem>>) {add = true}
        %dma_wait3A_107 = arith.constant 0 : i32
        %dma_wait3A_108 = arith.constant 0 : i32
        %dma_wait3A_109 = tpu.memref_slice %arg13[%dma_wait3A_107, %dma_wait3A_108] : memref<10240x128xf32, #tpu.memory_space<vmem_shared>> -> memref<10240x128xf32, #tpu.memory_space<vmem_shared>>
        tpu.wait_indirect_dma semaphore(%run_scoped3A_103 : memref<!tpu.dma_semaphore, #tpu.memory_space<semaphore_mem>>) src(%arg12 : memref<128x128xf32, #tpu.memory_space<vmem>>) dst(%dma_wait3A_109 : memref<10240x128xf32, #tpu.memory_space<vmem_shared>>)
        tpu.yield
      }) : () -> ()
    }
    %while3A_56 = arith.constant 1 : i32
    scf.for %while3A_82 = %while3A_54 to %while3A_50 step %while3A_56  : i32 {
      %mul3A_83 = arith.constant 2 : i32
      %mul3A_84 = arith.muli %mul3A_83, %while3A_82 : i32
      %add3A_85 = arith.addi %add3A_24, %mul3A_84 : i32
      %mul3A_86 = arith.constant 128 : i32
      %mul3A_87 = arith.muli %add3A_85, %mul3A_86 : i32
      %add3A_88 = arith.constant 128 : i32
      %add3A_89 = arith.addi %mul3A_87, %add3A_88 : i32
      %run_scoped3A = arith.constant 0 : i32
      "tpu.region"() ({
        %run_scoped3A_103 = tpu.sem_alloc : memref<!tpu.dma_semaphore, #tpu.memory_space<semaphore_mem>>
        %dma_start3A_104 = tpu.memref_slice %arg3[%run_scoped3A, %mul3A_87] : memref<2x320000xi32, #tpu.memory_space<hbm>> -> memref<1x128xi32, #tpu.memory_space<hbm>>
        %dma_start3A_105 = tpu.memref_squeeze %dma_start3A_104 : memref<1x128xi32, #tpu.memory_space<hbm>> -> memref<128xi32, #tpu.memory_space<hbm>>
        %dma_start3A_106 = tpu.memref_slice %arg3[%run_scoped3A, %mul3A_87] : memref<2x320000xi32, #tpu.memory_space<hbm>> -> memref<1x128xi32, #tpu.memory_space<hbm>>
        %dma_start3A_107 = tpu.memref_squeeze %dma_start3A_106 : memref<1x128xi32, #tpu.memory_space<hbm>> -> memref<128xi32, #tpu.memory_space<hbm>>
        tpu.enqueue_dma source(%dma_start3A_107 : memref<128xi32, #tpu.memory_space<hbm>>) target(%arg7 : memref<128xi32, #tpu.memory_space<vmem>>) target_semaphore(%run_scoped3A_103 : memref<!tpu.dma_semaphore, #tpu.memory_space<semaphore_mem>>)
        %dma_wait3A_108 = tpu.memref_slice %arg3[%run_scoped3A, %mul3A_87] : memref<2x320000xi32, #tpu.memory_space<hbm>> -> memref<1x128xi32, #tpu.memory_space<hbm>>
        %dma_wait3A_109 = tpu.memref_squeeze %dma_wait3A_108 : memref<1x128xi32, #tpu.memory_space<hbm>> -> memref<128xi32, #tpu.memory_space<hbm>>
        %dma_wait3A_110 = tpu.memref_slice %arg3[%run_scoped3A, %mul3A_87] : memref<2x320000xi32, #tpu.memory_space<hbm>> -> memref<1x128xi32, #tpu.memory_space<hbm>>
        %dma_wait3A_111 = tpu.memref_squeeze %dma_wait3A_110 : memref<1x128xi32, #tpu.memory_space<hbm>> -> memref<128xi32, #tpu.memory_space<hbm>>
        tpu.wait_dma2 semaphore(%run_scoped3A_103 : memref<!tpu.dma_semaphore, #tpu.memory_space<semaphore_mem>>) src(%dma_wait3A_111 : memref<128xi32, #tpu.memory_space<hbm>>) dst(%arg7 : memref<128xi32, #tpu.memory_space<vmem>>)
        tpu.yield
      }) : () -> ()
      %run_scoped3A_90 = arith.constant 1 : i32
      "tpu.region"() ({
        %run_scoped3A_103 = tpu.sem_alloc : memref<!tpu.dma_semaphore, #tpu.memory_space<semaphore_mem>>
        %dma_start3A_104 = tpu.memref_slice %arg3[%run_scoped3A_90, %mul3A_87] : memref<2x320000xi32, #tpu.memory_space<hbm>> -> memref<1x128xi32, #tpu.memory_space<hbm>>
        %dma_start3A_105 = tpu.memref_squeeze %dma_start3A_104 : memref<1x128xi32, #tpu.memory_space<hbm>> -> memref<128xi32, #tpu.memory_space<hbm>>
        %dma_start3A_106 = tpu.memref_slice %arg3[%run_scoped3A_90, %mul3A_87] : memref<2x320000xi32, #tpu.memory_space<hbm>> -> memref<1x128xi32, #tpu.memory_space<hbm>>
        %dma_start3A_107 = tpu.memref_squeeze %dma_start3A_106 : memref<1x128xi32, #tpu.memory_space<hbm>> -> memref<128xi32, #tpu.memory_space<hbm>>
        tpu.enqueue_dma source(%dma_start3A_107 : memref<128xi32, #tpu.memory_space<hbm>>) target(%arg8 : memref<128xi32, #tpu.memory_space<vmem>>) target_semaphore(%run_scoped3A_103 : memref<!tpu.dma_semaphore, #tpu.memory_space<semaphore_mem>>)
        %dma_wait3A_108 = tpu.memref_slice %arg3[%run_scoped3A_90, %mul3A_87] : memref<2x320000xi32, #tpu.memory_space<hbm>> -> memref<1x128xi32, #tpu.memory_space<hbm>>
        %dma_wait3A_109 = tpu.memref_squeeze %dma_wait3A_108 : memref<1x128xi32, #tpu.memory_space<hbm>> -> memref<128xi32, #tpu.memory_space<hbm>>
        %dma_wait3A_110 = tpu.memref_slice %arg3[%run_scoped3A_90, %mul3A_87] : memref<2x320000xi32, #tpu.memory_space<hbm>> -> memref<1x128xi32, #tpu.memory_space<hbm>>
        %dma_wait3A_111 = tpu.memref_squeeze %dma_wait3A_110 : memref<1x128xi32, #tpu.memory_space<hbm>> -> memref<128xi32, #tpu.memory_space<hbm>>
        tpu.wait_dma2 semaphore(%run_scoped3A_103 : memref<!tpu.dma_semaphore, #tpu.memory_space<semaphore_mem>>) src(%dma_wait3A_111 : memref<128xi32, #tpu.memory_space<hbm>>) dst(%arg8 : memref<128xi32, #tpu.memory_space<vmem>>)
        tpu.yield
      }) : () -> ()
      %dma_start3A = arith.constant 0 : i32
      %dma_start3A_91 = arith.constant 0 : i32
      %dma_start3A_92 = tpu.memref_slice %arg2[%dma_start3A, %dma_start3A_91] : memref<10000x128xf32, #tpu.memory_space<hbm>> -> memref<10000x128xf32, #tpu.memory_space<hbm>>
      tpu.enqueue_indirect_dma source(%dma_start3A_92 : memref<10000x128xf32, #tpu.memory_space<hbm>>) target(%arg11 : memref<128x128xf32, #tpu.memory_space<vmem>>) offsets(%arg7 : memref<128xi32, #tpu.memory_space<vmem>>) semaphore(%arg14 : memref<!tpu.dma_semaphore, #tpu.memory_space<semaphore_mem>>)
      %run_scoped3A_93 = arith.constant 0 : i32
      "tpu.region"() ({
        %run_scoped3A_103 = tpu.sem_alloc : memref<!tpu.dma_semaphore, #tpu.memory_space<semaphore_mem>>
        %dma_start3A_104 = tpu.memref_slice %arg3[%run_scoped3A_93, %add3A_89] : memref<2x320000xi32, #tpu.memory_space<hbm>> -> memref<1x128xi32, #tpu.memory_space<hbm>>
        %dma_start3A_105 = tpu.memref_squeeze %dma_start3A_104 : memref<1x128xi32, #tpu.memory_space<hbm>> -> memref<128xi32, #tpu.memory_space<hbm>>
        %dma_start3A_106 = tpu.memref_slice %arg3[%run_scoped3A_93, %add3A_89] : memref<2x320000xi32, #tpu.memory_space<hbm>> -> memref<1x128xi32, #tpu.memory_space<hbm>>
        %dma_start3A_107 = tpu.memref_squeeze %dma_start3A_106 : memref<1x128xi32, #tpu.memory_space<hbm>> -> memref<128xi32, #tpu.memory_space<hbm>>
        tpu.enqueue_dma source(%dma_start3A_107 : memref<128xi32, #tpu.memory_space<hbm>>) target(%arg9 : memref<128xi32, #tpu.memory_space<vmem>>) target_semaphore(%run_scoped3A_103 : memref<!tpu.dma_semaphore, #tpu.memory_space<semaphore_mem>>)
        %dma_wait3A_108 = tpu.memref_slice %arg3[%run_scoped3A_93, %add3A_89] : memref<2x320000xi32, #tpu.memory_space<hbm>> -> memref<1x128xi32, #tpu.memory_space<hbm>>
        %dma_wait3A_109 = tpu.memref_squeeze %dma_wait3A_108 : memref<1x128xi32, #tpu.memory_space<hbm>> -> memref<128xi32, #tpu.memory_space<hbm>>
        %dma_wait3A_110 = tpu.memref_slice %arg3[%run_scoped3A_93, %add3A_89] : memref<2x320000xi32, #tpu.memory_space<hbm>> -> memref<1x128xi32, #tpu.memory_space<hbm>>
        %dma_wait3A_111 = tpu.memref_squeeze %dma_wait3A_110 : memref<1x128xi32, #tpu.memory_space<hbm>> -> memref<128xi32, #tpu.memory_space<hbm>>
        tpu.wait_dma2 semaphore(%run_scoped3A_103 : memref<!tpu.dma_semaphore, #tpu.memory_space<semaphore_mem>>) src(%dma_wait3A_111 : memref<128xi32, #tpu.memory_space<hbm>>) dst(%arg9 : memref<128xi32, #tpu.memory_space<vmem>>)
        tpu.yield
      }) : () -> ()
      %run_scoped3A_94 = arith.constant 1 : i32
      "tpu.region"() ({
        %run_scoped3A_103 = tpu.sem_alloc : memref<!tpu.dma_semaphore, #tpu.memory_space<semaphore_mem>>
        %dma_start3A_104 = tpu.memref_slice %arg3[%run_scoped3A_94, %add3A_89] : memref<2x320000xi32, #tpu.memory_space<hbm>> -> memref<1x128xi32, #tpu.memory_space<hbm>>
        %dma_start3A_105 = tpu.memref_squeeze %dma_start3A_104 : memref<1x128xi32, #tpu.memory_space<hbm>> -> memref<128xi32, #tpu.memory_space<hbm>>
        %dma_start3A_106 = tpu.memref_slice %arg3[%run_scoped3A_94, %add3A_89] : memref<2x320000xi32, #tpu.memory_space<hbm>> -> memref<1x128xi32, #tpu.memory_space<hbm>>
        %dma_start3A_107 = tpu.memref_squeeze %dma_start3A_106 : memref<1x128xi32, #tpu.memory_space<hbm>> -> memref<128xi32, #tpu.memory_space<hbm>>
        tpu.enqueue_dma source(%dma_start3A_107 : memref<128xi32, #tpu.memory_space<hbm>>) target(%arg10 : memref<128xi32, #tpu.memory_space<vmem>>) target_semaphore(%run_scoped3A_103 : memref<!tpu.dma_semaphore, #tpu.memory_space<semaphore_mem>>)
        %dma_wait3A_108 = tpu.memref_slice %arg3[%run_scoped3A_94, %add3A_89] : memref<2x320000xi32, #tpu.memory_space<hbm>> -> memref<1x128xi32, #tpu.memory_space<hbm>>
        %dma_wait3A_109 = tpu.memref_squeeze %dma_wait3A_108 : memref<1x128xi32, #tpu.memory_space<hbm>> -> memref<128xi32, #tpu.memory_space<hbm>>
        %dma_wait3A_110 = tpu.memref_slice %arg3[%run_scoped3A_94, %add3A_89] : memref<2x320000xi32, #tpu.memory_space<hbm>> -> memref<1x128xi32, #tpu.memory_space<hbm>>
        %dma_wait3A_111 = tpu.memref_squeeze %dma_wait3A_110 : memref<1x128xi32, #tpu.memory_space<hbm>> -> memref<128xi32, #tpu.memory_space<hbm>>
        tpu.wait_dma2 semaphore(%run_scoped3A_103 : memref<!tpu.dma_semaphore, #tpu.memory_space<semaphore_mem>>) src(%dma_wait3A_111 : memref<128xi32, #tpu.memory_space<hbm>>) dst(%arg10 : memref<128xi32, #tpu.memory_space<vmem>>)
        tpu.yield
      }) : () -> ()
      %dma_start3A_95 = arith.constant 0 : i32
      %dma_start3A_96 = arith.constant 0 : i32
      %dma_start3A_97 = tpu.memref_slice %arg2[%dma_start3A_95, %dma_start3A_96] : memref<10000x128xf32, #tpu.memory_space<hbm>> -> memref<10000x128xf32, #tpu.memory_space<hbm>>
      tpu.enqueue_indirect_dma source(%dma_start3A_97 : memref<10000x128xf32, #tpu.memory_space<hbm>>) target(%arg12 : memref<128x128xf32, #tpu.memory_space<vmem>>) offsets(%arg9 : memref<128xi32, #tpu.memory_space<vmem>>) semaphore(%arg15 : memref<!tpu.dma_semaphore, #tpu.memory_space<semaphore_mem>>)
      %dma_wait3A = arith.constant 0 : i32
      %dma_wait3A_98 = arith.constant 0 : i32
      %dma_wait3A_99 = tpu.memref_slice %arg2[%dma_wait3A, %dma_wait3A_98] : memref<10000x128xf32, #tpu.memory_space<hbm>> -> memref<10000x128xf32, #tpu.memory_space<hbm>>
      tpu.wait_indirect_dma semaphore(%arg14 : memref<!tpu.dma_semaphore, #tpu.memory_space<semaphore_mem>>) src(%dma_wait3A_99 : memref<10000x128xf32, #tpu.memory_space<hbm>>) dst(%arg11 : memref<128x128xf32, #tpu.memory_space<vmem>>)
      "tpu.region"() ({
        %run_scoped3A_103 = tpu.sem_alloc : memref<!tpu.dma_semaphore, #tpu.memory_space<semaphore_mem>>
        %dma_start3A_104 = arith.constant 0 : i32
        %dma_start3A_105 = arith.constant 0 : i32
        %dma_start3A_106 = tpu.memref_slice %arg13[%dma_start3A_104, %dma_start3A_105] : memref<10240x128xf32, #tpu.memory_space<vmem_shared>> -> memref<10240x128xf32, #tpu.memory_space<vmem_shared>>
        tpu.enqueue_indirect_dma source(%arg11 : memref<128x128xf32, #tpu.memory_space<vmem>>) target(%dma_start3A_106 : memref<10240x128xf32, #tpu.memory_space<vmem_shared>>) offsets(%arg8 : memref<128xi32, #tpu.memory_space<vmem>>) semaphore(%run_scoped3A_103 : memref<!tpu.dma_semaphore, #tpu.memory_space<semaphore_mem>>) {add = true}
        %dma_wait3A_107 = arith.constant 0 : i32
        %dma_wait3A_108 = arith.constant 0 : i32
        %dma_wait3A_109 = tpu.memref_slice %arg13[%dma_wait3A_107, %dma_wait3A_108] : memref<10240x128xf32, #tpu.memory_space<vmem_shared>> -> memref<10240x128xf32, #tpu.memory_space<vmem_shared>>
        tpu.wait_indirect_dma semaphore(%run_scoped3A_103 : memref<!tpu.dma_semaphore, #tpu.memory_space<semaphore_mem>>) src(%arg11 : memref<128x128xf32, #tpu.memory_space<vmem>>) dst(%dma_wait3A_109 : memref<10240x128xf32, #tpu.memory_space<vmem_shared>>)
        tpu.yield
      }) : () -> ()
      %dma_wait3A_100 = arith.constant 0 : i32
      %dma_wait3A_101 = arith.constant 0 : i32
      %dma_wait3A_102 = tpu.memref_slice %arg2[%dma_wait3A_100, %dma_wait3A_101] : memref<10000x128xf32, #tpu.memory_space<hbm>> -> memref<10000x128xf32, #tpu.memory_space<hbm>>
      tpu.wait_indirect_dma semaphore(%arg15 : memref<!tpu.dma_semaphore, #tpu.memory_space<semaphore_mem>>) src(%dma_wait3A_102 : memref<10000x128xf32, #tpu.memory_space<hbm>>) dst(%arg12 : memref<128x128xf32, #tpu.memory_space<vmem>>)
      "tpu.region"() ({
        %run_scoped3A_103 = tpu.sem_alloc : memref<!tpu.dma_semaphore, #tpu.memory_space<semaphore_mem>>
        %dma_start3A_104 = arith.constant 0 : i32
        %dma_start3A_105 = arith.constant 0 : i32
        %dma_start3A_106 = tpu.memref_slice %arg13[%dma_start3A_104, %dma_start3A_105] : memref<10240x128xf32, #tpu.memory_space<vmem_shared>> -> memref<10240x128xf32, #tpu.memory_space<vmem_shared>>
        tpu.enqueue_indirect_dma source(%arg12 : memref<128x128xf32, #tpu.memory_space<vmem>>) target(%dma_start3A_106 : memref<10240x128xf32, #tpu.memory_space<vmem_shared>>) offsets(%arg10 : memref<128xi32, #tpu.memory_space<vmem>>) semaphore(%run_scoped3A_103 : memref<!tpu.dma_semaphore, #tpu.memory_space<semaphore_mem>>) {add = true}
        %dma_wait3A_107 = arith.constant 0 : i32
        %dma_wait3A_108 = arith.constant 0 : i32
        %dma_wait3A_109 = tpu.memref_slice %arg13[%dma_wait3A_107, %dma_wait3A_108] : memref<10240x128xf32, #tpu.memory_space<vmem_shared>> -> memref<10240x128xf32, #tpu.memory_space<vmem_shared>>
        tpu.wait_indirect_dma semaphore(%run_scoped3A_103 : memref<!tpu.dma_semaphore, #tpu.memory_space<semaphore_mem>>) src(%arg12 : memref<128x128xf32, #tpu.memory_space<vmem>>) dst(%dma_wait3A_109 : memref<10240x128xf32, #tpu.memory_space<vmem_shared>>)
        tpu.yield
      }) : () -> ()
    }
    %sub3A_57 = arith.subi %add3A_29, %add3A_24 : i32
    %mul3A_58 = arith.constant 2 : i32
    %mul3A_59 = arith.muli %mul3A_58, %select_n3A_48 : i32
    %gt3A = arith.cmpi sgt, %sub3A_57, %mul3A_59 : i32
    %convert_element_type3A = arith.extui %gt3A : i1 to i32
    %cond3A = arith.constant 0 : i32
    %cond3A_60 = arith.cmpi ne, %convert_element_type3A, %cond3A : i32
    scf.if %cond3A_60 {
      %sub3A_82 = arith.constant 1 : i32
      %sub3A_83 = arith.subi %add3A_29, %sub3A_82 : i32
      %mul3A_84 = arith.constant 128 : i32
      %mul3A_85 = arith.muli %sub3A_83, %mul3A_84 : i32
      %run_scoped3A = arith.constant 0 : i32
      "tpu.region"() ({
        %run_scoped3A_91 = tpu.sem_alloc : memref<!tpu.dma_semaphore, #tpu.memory_space<semaphore_mem>>
        %dma_start3A_92 = tpu.memref_slice %arg3[%run_scoped3A, %mul3A_85] : memref<2x320000xi32, #tpu.memory_space<hbm>> -> memref<1x128xi32, #tpu.memory_space<hbm>>
        %dma_start3A_93 = tpu.memref_squeeze %dma_start3A_92 : memref<1x128xi32, #tpu.memory_space<hbm>> -> memref<128xi32, #tpu.memory_space<hbm>>
        %dma_start3A_94 = tpu.memref_slice %arg3[%run_scoped3A, %mul3A_85] : memref<2x320000xi32, #tpu.memory_space<hbm>> -> memref<1x128xi32, #tpu.memory_space<hbm>>
        %dma_start3A_95 = tpu.memref_squeeze %dma_start3A_94 : memref<1x128xi32, #tpu.memory_space<hbm>> -> memref<128xi32, #tpu.memory_space<hbm>>
        tpu.enqueue_dma source(%dma_start3A_95 : memref<128xi32, #tpu.memory_space<hbm>>) target(%arg7 : memref<128xi32, #tpu.memory_space<vmem>>) target_semaphore(%run_scoped3A_91 : memref<!tpu.dma_semaphore, #tpu.memory_space<semaphore_mem>>)
        %dma_wait3A_96 = tpu.memref_slice %arg3[%run_scoped3A, %mul3A_85] : memref<2x320000xi32, #tpu.memory_space<hbm>> -> memref<1x128xi32, #tpu.memory_space<hbm>>
        %dma_wait3A_97 = tpu.memref_squeeze %dma_wait3A_96 : memref<1x128xi32, #tpu.memory_space<hbm>> -> memref<128xi32, #tpu.memory_space<hbm>>
        %dma_wait3A_98 = tpu.memref_slice %arg3[%run_scoped3A, %mul3A_85] : memref<2x320000xi32, #tpu.memory_space<hbm>> -> memref<1x128xi32, #tpu.memory_space<hbm>>
        %dma_wait3A_99 = tpu.memref_squeeze %dma_wait3A_98 : memref<1x128xi32, #tpu.memory_space<hbm>> -> memref<128xi32, #tpu.memory_space<hbm>>
        tpu.wait_dma2 semaphore(%run_scoped3A_91 : memref<!tpu.dma_semaphore, #tpu.memory_space<semaphore_mem>>) src(%dma_wait3A_99 : memref<128xi32, #tpu.memory_space<hbm>>) dst(%arg7 : memref<128xi32, #tpu.memory_space<vmem>>)
        tpu.yield
      }) : () -> ()
      %run_scoped3A_86 = arith.constant 1 : i32
      "tpu.region"() ({
        %run_scoped3A_91 = tpu.sem_alloc : memref<!tpu.dma_semaphore, #tpu.memory_space<semaphore_mem>>
        %dma_start3A_92 = tpu.memref_slice %arg3[%run_scoped3A_86, %mul3A_85] : memref<2x320000xi32, #tpu.memory_space<hbm>> -> memref<1x128xi32, #tpu.memory_space<hbm>>
        %dma_start3A_93 = tpu.memref_squeeze %dma_start3A_92 : memref<1x128xi32, #tpu.memory_space<hbm>> -> memref<128xi32, #tpu.memory_space<hbm>>
        %dma_start3A_94 = tpu.memref_slice %arg3[%run_scoped3A_86, %mul3A_85] : memref<2x320000xi32, #tpu.memory_space<hbm>> -> memref<1x128xi32, #tpu.memory_space<hbm>>
        %dma_start3A_95 = tpu.memref_squeeze %dma_start3A_94 : memref<1x128xi32, #tpu.memory_space<hbm>> -> memref<128xi32, #tpu.memory_space<hbm>>
        tpu.enqueue_dma source(%dma_start3A_95 : memref<128xi32, #tpu.memory_space<hbm>>) target(%arg8 : memref<128xi32, #tpu.memory_space<vmem>>) target_semaphore(%run_scoped3A_91 : memref<!tpu.dma_semaphore, #tpu.memory_space<semaphore_mem>>)
        %dma_wait3A_96 = tpu.memref_slice %arg3[%run_scoped3A_86, %mul3A_85] : memref<2x320000xi32, #tpu.memory_space<hbm>> -> memref<1x128xi32, #tpu.memory_space<hbm>>
        %dma_wait3A_97 = tpu.memref_squeeze %dma_wait3A_96 : memref<1x128xi32, #tpu.memory_space<hbm>> -> memref<128xi32, #tpu.memory_space<hbm>>
        %dma_wait3A_98 = tpu.memref_slice %arg3[%run_scoped3A_86, %mul3A_85] : memref<2x320000xi32, #tpu.memory_space<hbm>> -> memref<1x128xi32, #tpu.memory_space<hbm>>
        %dma_wait3A_99 = tpu.memref_squeeze %dma_wait3A_98 : memref<1x128xi32, #tpu.memory_space<hbm>> -> memref<128xi32, #tpu.memory_space<hbm>>
        tpu.wait_dma2 semaphore(%run_scoped3A_91 : memref<!tpu.dma_semaphore, #tpu.memory_space<semaphore_mem>>) src(%dma_wait3A_99 : memref<128xi32, #tpu.memory_space<hbm>>) dst(%arg8 : memref<128xi32, #tpu.memory_space<vmem>>)
        tpu.yield
      }) : () -> ()
      %dma_start3A = arith.constant 0 : i32
      %dma_start3A_87 = arith.constant 0 : i32
      %dma_start3A_88 = tpu.memref_slice %arg2[%dma_start3A, %dma_start3A_87] : memref<10000x128xf32, #tpu.memory_space<hbm>> -> memref<10000x128xf32, #tpu.memory_space<hbm>>
      tpu.enqueue_indirect_dma source(%dma_start3A_88 : memref<10000x128xf32, #tpu.memory_space<hbm>>) target(%arg11 : memref<128x128xf32, #tpu.memory_space<vmem>>) offsets(%arg7 : memref<128xi32, #tpu.memory_space<vmem>>) semaphore(%arg14 : memref<!tpu.dma_semaphore, #tpu.memory_space<semaphore_mem>>)
      %dma_wait3A = arith.constant 0 : i32
      %dma_wait3A_89 = arith.constant 0 : i32
      %dma_wait3A_90 = tpu.memref_slice %arg2[%dma_wait3A, %dma_wait3A_89] : memref<10000x128xf32, #tpu.memory_space<hbm>> -> memref<10000x128xf32, #tpu.memory_space<hbm>>
      tpu.wait_indirect_dma semaphore(%arg14 : memref<!tpu.dma_semaphore, #tpu.memory_space<semaphore_mem>>) src(%dma_wait3A_90 : memref<10000x128xf32, #tpu.memory_space<hbm>>) dst(%arg11 : memref<128x128xf32, #tpu.memory_space<vmem>>)
      "tpu.region"() ({
        %run_scoped3A_91 = tpu.sem_alloc : memref<!tpu.dma_semaphore, #tpu.memory_space<semaphore_mem>>
        %dma_start3A_92 = arith.constant 0 : i32
        %dma_start3A_93 = arith.constant 0 : i32
        %dma_start3A_94 = tpu.memref_slice %arg13[%dma_start3A_92, %dma_start3A_93] : memref<10240x128xf32, #tpu.memory_space<vmem_shared>> -> memref<10240x128xf32, #tpu.memory_space<vmem_shared>>
        tpu.enqueue_indirect_dma source(%arg11 : memref<128x128xf32, #tpu.memory_space<vmem>>) target(%dma_start3A_94 : memref<10240x128xf32, #tpu.memory_space<vmem_shared>>) offsets(%arg8 : memref<128xi32, #tpu.memory_space<vmem>>) semaphore(%run_scoped3A_91 : memref<!tpu.dma_semaphore, #tpu.memory_space<semaphore_mem>>) {add = true}
        %dma_wait3A_95 = arith.constant 0 : i32
        %dma_wait3A_96 = arith.constant 0 : i32
        %dma_wait3A_97 = tpu.memref_slice %arg13[%dma_wait3A_95, %dma_wait3A_96] : memref<10240x128xf32, #tpu.memory_space<vmem_shared>> -> memref<10240x128xf32, #tpu.memory_space<vmem_shared>>
        tpu.wait_indirect_dma semaphore(%run_scoped3A_91 : memref<!tpu.dma_semaphore, #tpu.memory_space<semaphore_mem>>) src(%arg11 : memref<128x128xf32, #tpu.memory_space<vmem>>) dst(%dma_wait3A_97 : memref<10240x128xf32, #tpu.memory_space<vmem_shared>>)
        tpu.yield
      }) : () -> ()
    } else {
    }
    %barrier3A_61 = arith.constant 0 : index
    tpu.barrier barrier_id(%barrier3A_61)
    %mul3A_62 = arith.constant 640 : i32
    %mul3A_63 = arith.muli %arg1, %mul3A_62 : i32
    %add3A_64 = arith.constant 0 : i32
    %add3A_65 = arith.addi %mul3A_63, %add3A_64 : i32
    "tpu.region"() ({
      %run_scoped3A = tpu.sem_alloc : memref<!tpu.dma_semaphore, #tpu.memory_space<semaphore_mem>>
      %dma_start3A = tpu.memref_slice %arg5[%add3A_65] : memref<10240xi32, #tpu.memory_space<hbm>> -> memref<128xi32, #tpu.memory_space<hbm>>
      %dma_start3A_82 = tpu.memref_slice %arg5[%add3A_65] : memref<10240xi32, #tpu.memory_space<hbm>> -> memref<128xi32, #tpu.memory_space<hbm>>
      tpu.enqueue_dma source(%dma_start3A_82 : memref<128xi32, #tpu.memory_space<hbm>>) target(%arg8 : memref<128xi32, #tpu.memory_space<vmem>>) target_semaphore(%run_scoped3A : memref<!tpu.dma_semaphore, #tpu.memory_space<semaphore_mem>>)
      %dma_wait3A = tpu.memref_slice %arg5[%add3A_65] : memref<10240xi32, #tpu.memory_space<hbm>> -> memref<128xi32, #tpu.memory_space<hbm>>
      %dma_wait3A_83 = tpu.memref_slice %arg5[%add3A_65] : memref<10240xi32, #tpu.memory_space<hbm>> -> memref<128xi32, #tpu.memory_space<hbm>>
      tpu.wait_dma2 semaphore(%run_scoped3A : memref<!tpu.dma_semaphore, #tpu.memory_space<semaphore_mem>>) src(%dma_wait3A_83 : memref<128xi32, #tpu.memory_space<hbm>>) dst(%arg8 : memref<128xi32, #tpu.memory_space<vmem>>)
      tpu.yield
    }) : () -> ()
    "tpu.region"() ({
      %run_scoped3A = tpu.sem_alloc : memref<!tpu.dma_semaphore, #tpu.memory_space<semaphore_mem>>
      %dma_start3A = arith.constant 0 : i32
      %dma_start3A_82 = arith.constant 0 : i32
      %dma_start3A_83 = tpu.memref_slice %arg13[%dma_start3A, %dma_start3A_82] : memref<10240x128xf32, #tpu.memory_space<vmem_shared>> -> memref<10240x128xf32, #tpu.memory_space<vmem_shared>>
      tpu.enqueue_indirect_dma source(%dma_start3A_83 : memref<10240x128xf32, #tpu.memory_space<vmem_shared>>) target(%arg11 : memref<128x128xf32, #tpu.memory_space<vmem>>) offsets(%arg8 : memref<128xi32, #tpu.memory_space<vmem>>) semaphore(%run_scoped3A : memref<!tpu.dma_semaphore, #tpu.memory_space<semaphore_mem>>)
      %dma_wait3A = arith.constant 0 : i32
      %dma_wait3A_84 = arith.constant 0 : i32
      %dma_wait3A_85 = tpu.memref_slice %arg13[%dma_wait3A, %dma_wait3A_84] : memref<10240x128xf32, #tpu.memory_space<vmem_shared>> -> memref<10240x128xf32, #tpu.memory_space<vmem_shared>>
      tpu.wait_indirect_dma semaphore(%run_scoped3A : memref<!tpu.dma_semaphore, #tpu.memory_space<semaphore_mem>>) src(%dma_wait3A_85 : memref<10240x128xf32, #tpu.memory_space<vmem_shared>>) dst(%arg11 : memref<128x128xf32, #tpu.memory_space<vmem>>)
      tpu.yield
    }) : () -> ()
    "tpu.region"() ({
      %run_scoped3A = tpu.sem_alloc : memref<!tpu.dma_semaphore, #tpu.memory_space<semaphore_mem>>
      %dma_start3A = arith.constant 0 : i32
      %dma_start3A_82 = tpu.memref_slice %arg6[%arg0, %add3A_65, %dma_start3A] : memref<2x10240x128xf32, #tpu.memory_space<hbm>> -> memref<1x128x128xf32, #tpu.memory_space<hbm>>
      %dma_start3A_83 = tpu.memref_squeeze %dma_start3A_82 : memref<1x128x128xf32, #tpu.memory_space<hbm>> -> memref<128x128xf32, #tpu.memory_space<hbm>>
      %dma_start3A_84 = arith.constant 0 : i32
      %dma_start3A_85 = tpu.memref_slice %arg6[%arg0, %add3A_65, %dma_start3A_84] : memref<2x10240x128xf32, #tpu.memory_space<hbm>> -> memref<1x128x128xf32, #tpu.memory_space<hbm>>
      %dma_start3A_86 = tpu.memref_squeeze %dma_start3A_85 : memref<1x128x128xf32, #tpu.memory_space<hbm>> -> memref<128x128xf32, #tpu.memory_space<hbm>>
      tpu.enqueue_dma source(%arg11 : memref<128x128xf32, #tpu.memory_space<vmem>>) target(%dma_start3A_86 : memref<128x128xf32, #tpu.memory_space<hbm>>) target_semaphore(%run_scoped3A : memref<!tpu.dma_semaphore, #tpu.memory_space<semaphore_mem>>)
      %dma_wait3A = arith.constant 0 : i32
      %dma_wait3A_87 = tpu.memref_slice %arg6[%arg0, %add3A_65, %dma_wait3A] : memref<2x10240x128xf32, #tpu.memory_space<hbm>> -> memref<1x128x128xf32, #tpu.memory_space<hbm>>
      %dma_wait3A_88 = tpu.memref_squeeze %dma_wait3A_87 : memref<1x128x128xf32, #tpu.memory_space<hbm>> -> memref<128x128xf32, #tpu.memory_space<hbm>>
      %dma_wait3A_89 = arith.constant 0 : i32
      %dma_wait3A_90 = tpu.memref_slice %arg6[%arg0, %add3A_65, %dma_wait3A_89] : memref<2x10240x128xf32, #tpu.memory_space<hbm>> -> memref<1x128x128xf32, #tpu.memory_space<hbm>>
      %dma_wait3A_91 = tpu.memref_squeeze %dma_wait3A_90 : memref<1x128x128xf32, #tpu.memory_space<hbm>> -> memref<128x128xf32, #tpu.memory_space<hbm>>
      tpu.wait_dma2 semaphore(%run_scoped3A : memref<!tpu.dma_semaphore, #tpu.memory_space<semaphore_mem>>) src(%arg11 : memref<128x128xf32, #tpu.memory_space<vmem>>) dst(%dma_wait3A_91 : memref<128x128xf32, #tpu.memory_space<hbm>>)
      tpu.yield
    }) : () -> ()
    %mul3A_66 = arith.constant 640 : i32
    %mul3A_67 = arith.muli %arg1, %mul3A_66 : i32
    %add3A_68 = arith.constant 128 : i32
    %add3A_69 = arith.addi %mul3A_67, %add3A_68 : i32
    "tpu.region"() ({
      %run_scoped3A = tpu.sem_alloc : memref<!tpu.dma_semaphore, #tpu.memory_space<semaphore_mem>>
      %dma_start3A = tpu.memref_slice %arg5[%add3A_69] : memref<10240xi32, #tpu.memory_space<hbm>> -> memref<128xi32, #tpu.memory_space<hbm>>
      %dma_start3A_82 = tpu.memref_slice %arg5[%add3A_69] : memref<10240xi32, #tpu.memory_space<hbm>> -> memref<128xi32, #tpu.memory_space<hbm>>
      tpu.enqueue_dma source(%dma_start3A_82 : memref<128xi32, #tpu.memory_space<hbm>>) target(%arg8 : memref<128xi32, #tpu.memory_space<vmem>>) target_semaphore(%run_scoped3A : memref<!tpu.dma_semaphore, #tpu.memory_space<semaphore_mem>>)
      %dma_wait3A = tpu.memref_slice %arg5[%add3A_69] : memref<10240xi32, #tpu.memory_space<hbm>> -> memref<128xi32, #tpu.memory_space<hbm>>
      %dma_wait3A_83 = tpu.memref_slice %arg5[%add3A_69] : memref<10240xi32, #tpu.memory_space<hbm>> -> memref<128xi32, #tpu.memory_space<hbm>>
      tpu.wait_dma2 semaphore(%run_scoped3A : memref<!tpu.dma_semaphore, #tpu.memory_space<semaphore_mem>>) src(%dma_wait3A_83 : memref<128xi32, #tpu.memory_space<hbm>>) dst(%arg8 : memref<128xi32, #tpu.memory_space<vmem>>)
      tpu.yield
    }) : () -> ()
    "tpu.region"() ({
      %run_scoped3A = tpu.sem_alloc : memref<!tpu.dma_semaphore, #tpu.memory_space<semaphore_mem>>
      %dma_start3A = arith.constant 0 : i32
      %dma_start3A_82 = arith.constant 0 : i32
      %dma_start3A_83 = tpu.memref_slice %arg13[%dma_start3A, %dma_start3A_82] : memref<10240x128xf32, #tpu.memory_space<vmem_shared>> -> memref<10240x128xf32, #tpu.memory_space<vmem_shared>>
      tpu.enqueue_indirect_dma source(%dma_start3A_83 : memref<10240x128xf32, #tpu.memory_space<vmem_shared>>) target(%arg11 : memref<128x128xf32, #tpu.memory_space<vmem>>) offsets(%arg8 : memref<128xi32, #tpu.memory_space<vmem>>) semaphore(%run_scoped3A : memref<!tpu.dma_semaphore, #tpu.memory_space<semaphore_mem>>)
      %dma_wait3A = arith.constant 0 : i32
      %dma_wait3A_84 = arith.constant 0 : i32
      %dma_wait3A_85 = tpu.memref_slice %arg13[%dma_wait3A, %dma_wait3A_84] : memref<10240x128xf32, #tpu.memory_space<vmem_shared>> -> memref<10240x128xf32, #tpu.memory_space<vmem_shared>>
      tpu.wait_indirect_dma semaphore(%run_scoped3A : memref<!tpu.dma_semaphore, #tpu.memory_space<semaphore_mem>>) src(%dma_wait3A_85 : memref<10240x128xf32, #tpu.memory_space<vmem_shared>>) dst(%arg11 : memref<128x128xf32, #tpu.memory_space<vmem>>)
      tpu.yield
    }) : () -> ()
    "tpu.region"() ({
      %run_scoped3A = tpu.sem_alloc : memref<!tpu.dma_semaphore, #tpu.memory_space<semaphore_mem>>
      %dma_start3A = arith.constant 0 : i32
      %dma_start3A_82 = tpu.memref_slice %arg6[%arg0, %add3A_69, %dma_start3A] : memref<2x10240x128xf32, #tpu.memory_space<hbm>> -> memref<1x128x128xf32, #tpu.memory_space<hbm>>
      %dma_start3A_83 = tpu.memref_squeeze %dma_start3A_82 : memref<1x128x128xf32, #tpu.memory_space<hbm>> -> memref<128x128xf32, #tpu.memory_space<hbm>>
      %dma_start3A_84 = arith.constant 0 : i32
      %dma_start3A_85 = tpu.memref_slice %arg6[%arg0, %add3A_69, %dma_start3A_84] : memref<2x10240x128xf32, #tpu.memory_space<hbm>> -> memref<1x128x128xf32, #tpu.memory_space<hbm>>
      %dma_start3A_86 = tpu.memref_squeeze %dma_start3A_85 : memref<1x128x128xf32, #tpu.memory_space<hbm>> -> memref<128x128xf32, #tpu.memory_space<hbm>>
      tpu.enqueue_dma source(%arg11 : memref<128x128xf32, #tpu.memory_space<vmem>>) target(%dma_start3A_86 : memref<128x128xf32, #tpu.memory_space<hbm>>) target_semaphore(%run_scoped3A : memref<!tpu.dma_semaphore, #tpu.memory_space<semaphore_mem>>)
      %dma_wait3A = arith.constant 0 : i32
      %dma_wait3A_87 = tpu.memref_slice %arg6[%arg0, %add3A_69, %dma_wait3A] : memref<2x10240x128xf32, #tpu.memory_space<hbm>> -> memref<1x128x128xf32, #tpu.memory_space<hbm>>
      %dma_wait3A_88 = tpu.memref_squeeze %dma_wait3A_87 : memref<1x128x128xf32, #tpu.memory_space<hbm>> -> memref<128x128xf32, #tpu.memory_space<hbm>>
      %dma_wait3A_89 = arith.constant 0 : i32
      %dma_wait3A_90 = tpu.memref_slice %arg6[%arg0, %add3A_69, %dma_wait3A_89] : memref<2x10240x128xf32, #tpu.memory_space<hbm>> -> memref<1x128x128xf32, #tpu.memory_space<hbm>>
      %dma_wait3A_91 = tpu.memref_squeeze %dma_wait3A_90 : memref<1x128x128xf32, #tpu.memory_space<hbm>> -> memref<128x128xf32, #tpu.memory_space<hbm>>
      tpu.wait_dma2 semaphore(%run_scoped3A : memref<!tpu.dma_semaphore, #tpu.memory_space<semaphore_mem>>) src(%arg11 : memref<128x128xf32, #tpu.memory_space<vmem>>) dst(%dma_wait3A_91 : memref<128x128xf32, #tpu.memory_space<hbm>>)
      tpu.yield
    }) : () -> ()
    %mul3A_70 = arith.constant 640 : i32
    %mul3A_71 = arith.muli %arg1, %mul3A_70 : i32
    %add3A_72 = arith.constant 256 : i32
    %add3A_73 = arith.addi %mul3A_71, %add3A_72 : i32
    "tpu.region"() ({
      %run_scoped3A = tpu.sem_alloc : memref<!tpu.dma_semaphore, #tpu.memory_space<semaphore_mem>>
      %dma_start3A = tpu.memref_slice %arg5[%add3A_73] : memref<10240xi32, #tpu.memory_space<hbm>> -> memref<128xi32, #tpu.memory_space<hbm>>
      %dma_start3A_82 = tpu.memref_slice %arg5[%add3A_73] : memref<10240xi32, #tpu.memory_space<hbm>> -> memref<128xi32, #tpu.memory_space<hbm>>
      tpu.enqueue_dma source(%dma_start3A_82 : memref<128xi32, #tpu.memory_space<hbm>>) target(%arg8 : memref<128xi32, #tpu.memory_space<vmem>>) target_semaphore(%run_scoped3A : memref<!tpu.dma_semaphore, #tpu.memory_space<semaphore_mem>>)
      %dma_wait3A = tpu.memref_slice %arg5[%add3A_73] : memref<10240xi32, #tpu.memory_space<hbm>> -> memref<128xi32, #tpu.memory_space<hbm>>
      %dma_wait3A_83 = tpu.memref_slice %arg5[%add3A_73] : memref<10240xi32, #tpu.memory_space<hbm>> -> memref<128xi32, #tpu.memory_space<hbm>>
      tpu.wait_dma2 semaphore(%run_scoped3A : memref<!tpu.dma_semaphore, #tpu.memory_space<semaphore_mem>>) src(%dma_wait3A_83 : memref<128xi32, #tpu.memory_space<hbm>>) dst(%arg8 : memref<128xi32, #tpu.memory_space<vmem>>)
      tpu.yield
    }) : () -> ()
    "tpu.region"() ({
      %run_scoped3A = tpu.sem_alloc : memref<!tpu.dma_semaphore, #tpu.memory_space<semaphore_mem>>
      %dma_start3A = arith.constant 0 : i32
      %dma_start3A_82 = arith.constant 0 : i32
      %dma_start3A_83 = tpu.memref_slice %arg13[%dma_start3A, %dma_start3A_82] : memref<10240x128xf32, #tpu.memory_space<vmem_shared>> -> memref<10240x128xf32, #tpu.memory_space<vmem_shared>>
      tpu.enqueue_indirect_dma source(%dma_start3A_83 : memref<10240x128xf32, #tpu.memory_space<vmem_shared>>) target(%arg11 : memref<128x128xf32, #tpu.memory_space<vmem>>) offsets(%arg8 : memref<128xi32, #tpu.memory_space<vmem>>) semaphore(%run_scoped3A : memref<!tpu.dma_semaphore, #tpu.memory_space<semaphore_mem>>)
      %dma_wait3A = arith.constant 0 : i32
      %dma_wait3A_84 = arith.constant 0 : i32
      %dma_wait3A_85 = tpu.memref_slice %arg13[%dma_wait3A, %dma_wait3A_84] : memref<10240x128xf32, #tpu.memory_space<vmem_shared>> -> memref<10240x128xf32, #tpu.memory_space<vmem_shared>>
      tpu.wait_indirect_dma semaphore(%run_scoped3A : memref<!tpu.dma_semaphore, #tpu.memory_space<semaphore_mem>>) src(%dma_wait3A_85 : memref<10240x128xf32, #tpu.memory_space<vmem_shared>>) dst(%arg11 : memref<128x128xf32, #tpu.memory_space<vmem>>)
      tpu.yield
    }) : () -> ()
    "tpu.region"() ({
      %run_scoped3A = tpu.sem_alloc : memref<!tpu.dma_semaphore, #tpu.memory_space<semaphore_mem>>
      %dma_start3A = arith.constant 0 : i32
      %dma_start3A_82 = tpu.memref_slice %arg6[%arg0, %add3A_73, %dma_start3A] : memref<2x10240x128xf32, #tpu.memory_space<hbm>> -> memref<1x128x128xf32, #tpu.memory_space<hbm>>
      %dma_start3A_83 = tpu.memref_squeeze %dma_start3A_82 : memref<1x128x128xf32, #tpu.memory_space<hbm>> -> memref<128x128xf32, #tpu.memory_space<hbm>>
      %dma_start3A_84 = arith.constant 0 : i32
      %dma_start3A_85 = tpu.memref_slice %arg6[%arg0, %add3A_73, %dma_start3A_84] : memref<2x10240x128xf32, #tpu.memory_space<hbm>> -> memref<1x128x128xf32, #tpu.memory_space<hbm>>
      %dma_start3A_86 = tpu.memref_squeeze %dma_start3A_85 : memref<1x128x128xf32, #tpu.memory_space<hbm>> -> memref<128x128xf32, #tpu.memory_space<hbm>>
      tpu.enqueue_dma source(%arg11 : memref<128x128xf32, #tpu.memory_space<vmem>>) target(%dma_start3A_86 : memref<128x128xf32, #tpu.memory_space<hbm>>) target_semaphore(%run_scoped3A : memref<!tpu.dma_semaphore, #tpu.memory_space<semaphore_mem>>)
      %dma_wait3A = arith.constant 0 : i32
      %dma_wait3A_87 = tpu.memref_slice %arg6[%arg0, %add3A_73, %dma_wait3A] : memref<2x10240x128xf32, #tpu.memory_space<hbm>> -> memref<1x128x128xf32, #tpu.memory_space<hbm>>
      %dma_wait3A_88 = tpu.memref_squeeze %dma_wait3A_87 : memref<1x128x128xf32, #tpu.memory_space<hbm>> -> memref<128x128xf32, #tpu.memory_space<hbm>>
      %dma_wait3A_89 = arith.constant 0 : i32
      %dma_wait3A_90 = tpu.memref_slice %arg6[%arg0, %add3A_73, %dma_wait3A_89] : memref<2x10240x128xf32, #tpu.memory_space<hbm>> -> memref<1x128x128xf32, #tpu.memory_space<hbm>>
      %dma_wait3A_91 = tpu.memref_squeeze %dma_wait3A_90 : memref<1x128x128xf32, #tpu.memory_space<hbm>> -> memref<128x128xf32, #tpu.memory_space<hbm>>
      tpu.wait_dma2 semaphore(%run_scoped3A : memref<!tpu.dma_semaphore, #tpu.memory_space<semaphore_mem>>) src(%arg11 : memref<128x128xf32, #tpu.memory_space<vmem>>) dst(%dma_wait3A_91 : memref<128x128xf32, #tpu.memory_space<hbm>>)
      tpu.yield
    }) : () -> ()
    %mul3A_74 = arith.constant 640 : i32
    %mul3A_75 = arith.muli %arg1, %mul3A_74 : i32
    %add3A_76 = arith.constant 384 : i32
    %add3A_77 = arith.addi %mul3A_75, %add3A_76 : i32
    "tpu.region"() ({
      %run_scoped3A = tpu.sem_alloc : memref<!tpu.dma_semaphore, #tpu.memory_space<semaphore_mem>>
      %dma_start3A = tpu.memref_slice %arg5[%add3A_77] : memref<10240xi32, #tpu.memory_space<hbm>> -> memref<128xi32, #tpu.memory_space<hbm>>
      %dma_start3A_82 = tpu.memref_slice %arg5[%add3A_77] : memref<10240xi32, #tpu.memory_space<hbm>> -> memref<128xi32, #tpu.memory_space<hbm>>
      tpu.enqueue_dma source(%dma_start3A_82 : memref<128xi32, #tpu.memory_space<hbm>>) target(%arg8 : memref<128xi32, #tpu.memory_space<vmem>>) target_semaphore(%run_scoped3A : memref<!tpu.dma_semaphore, #tpu.memory_space<semaphore_mem>>)
      %dma_wait3A = tpu.memref_slice %arg5[%add3A_77] : memref<10240xi32, #tpu.memory_space<hbm>> -> memref<128xi32, #tpu.memory_space<hbm>>
      %dma_wait3A_83 = tpu.memref_slice %arg5[%add3A_77] : memref<10240xi32, #tpu.memory_space<hbm>> -> memref<128xi32, #tpu.memory_space<hbm>>
      tpu.wait_dma2 semaphore(%run_scoped3A : memref<!tpu.dma_semaphore, #tpu.memory_space<semaphore_mem>>) src(%dma_wait3A_83 : memref<128xi32, #tpu.memory_space<hbm>>) dst(%arg8 : memref<128xi32, #tpu.memory_space<vmem>>)
      tpu.yield
    }) : () -> ()
    "tpu.region"() ({
      %run_scoped3A = tpu.sem_alloc : memref<!tpu.dma_semaphore, #tpu.memory_space<semaphore_mem>>
      %dma_start3A = arith.constant 0 : i32
      %dma_start3A_82 = arith.constant 0 : i32
      %dma_start3A_83 = tpu.memref_slice %arg13[%dma_start3A, %dma_start3A_82] : memref<10240x128xf32, #tpu.memory_space<vmem_shared>> -> memref<10240x128xf32, #tpu.memory_space<vmem_shared>>
      tpu.enqueue_indirect_dma source(%dma_start3A_83 : memref<10240x128xf32, #tpu.memory_space<vmem_shared>>) target(%arg11 : memref<128x128xf32, #tpu.memory_space<vmem>>) offsets(%arg8 : memref<128xi32, #tpu.memory_space<vmem>>) semaphore(%run_scoped3A : memref<!tpu.dma_semaphore, #tpu.memory_space<semaphore_mem>>)
      %dma_wait3A = arith.constant 0 : i32
      %dma_wait3A_84 = arith.constant 0 : i32
      %dma_wait3A_85 = tpu.memref_slice %arg13[%dma_wait3A, %dma_wait3A_84] : memref<10240x128xf32, #tpu.memory_space<vmem_shared>> -> memref<10240x128xf32, #tpu.memory_space<vmem_shared>>
      tpu.wait_indirect_dma semaphore(%run_scoped3A : memref<!tpu.dma_semaphore, #tpu.memory_space<semaphore_mem>>) src(%dma_wait3A_85 : memref<10240x128xf32, #tpu.memory_space<vmem_shared>>) dst(%arg11 : memref<128x128xf32, #tpu.memory_space<vmem>>)
      tpu.yield
    }) : () -> ()
    "tpu.region"() ({
      %run_scoped3A = tpu.sem_alloc : memref<!tpu.dma_semaphore, #tpu.memory_space<semaphore_mem>>
      %dma_start3A = arith.constant 0 : i32
      %dma_start3A_82 = tpu.memref_slice %arg6[%arg0, %add3A_77, %dma_start3A] : memref<2x10240x128xf32, #tpu.memory_space<hbm>> -> memref<1x128x128xf32, #tpu.memory_space<hbm>>
      %dma_start3A_83 = tpu.memref_squeeze %dma_start3A_82 : memref<1x128x128xf32, #tpu.memory_space<hbm>> -> memref<128x128xf32, #tpu.memory_space<hbm>>
      %dma_start3A_84 = arith.constant 0 : i32
      %dma_start3A_85 = tpu.memref_slice %arg6[%arg0, %add3A_77, %dma_start3A_84] : memref<2x10240x128xf32, #tpu.memory_space<hbm>> -> memref<1x128x128xf32, #tpu.memory_space<hbm>>
      %dma_start3A_86 = tpu.memref_squeeze %dma_start3A_85 : memref<1x128x128xf32, #tpu.memory_space<hbm>> -> memref<128x128xf32, #tpu.memory_space<hbm>>
      tpu.enqueue_dma source(%arg11 : memref<128x128xf32, #tpu.memory_space<vmem>>) target(%dma_start3A_86 : memref<128x128xf32, #tpu.memory_space<hbm>>) target_semaphore(%run_scoped3A : memref<!tpu.dma_semaphore, #tpu.memory_space<semaphore_mem>>)
      %dma_wait3A = arith.constant 0 : i32
      %dma_wait3A_87 = tpu.memref_slice %arg6[%arg0, %add3A_77, %dma_wait3A] : memref<2x10240x128xf32, #tpu.memory_space<hbm>> -> memref<1x128x128xf32, #tpu.memory_space<hbm>>
      %dma_wait3A_88 = tpu.memref_squeeze %dma_wait3A_87 : memref<1x128x128xf32, #tpu.memory_space<hbm>> -> memref<128x128xf32, #tpu.memory_space<hbm>>
      %dma_wait3A_89 = arith.constant 0 : i32
      %dma_wait3A_90 = tpu.memref_slice %arg6[%arg0, %add3A_77, %dma_wait3A_89] : memref<2x10240x128xf32, #tpu.memory_space<hbm>> -> memref<1x128x128xf32, #tpu.memory_space<hbm>>
      %dma_wait3A_91 = tpu.memref_squeeze %dma_wait3A_90 : memref<1x128x128xf32, #tpu.memory_space<hbm>> -> memref<128x128xf32, #tpu.memory_space<hbm>>
      tpu.wait_dma2 semaphore(%run_scoped3A : memref<!tpu.dma_semaphore, #tpu.memory_space<semaphore_mem>>) src(%arg11 : memref<128x128xf32, #tpu.memory_space<vmem>>) dst(%dma_wait3A_91 : memref<128x128xf32, #tpu.memory_space<hbm>>)
      tpu.yield
    }) : () -> ()
    %mul3A_78 = arith.constant 640 : i32
    %mul3A_79 = arith.muli %arg1, %mul3A_78 : i32
    %add3A_80 = arith.constant 512 : i32
    %add3A_81 = arith.addi %mul3A_79, %add3A_80 : i32
    "tpu.region"() ({
      %run_scoped3A = tpu.sem_alloc : memref<!tpu.dma_semaphore, #tpu.memory_space<semaphore_mem>>
      %dma_start3A = tpu.memref_slice %arg5[%add3A_81] : memref<10240xi32, #tpu.memory_space<hbm>> -> memref<128xi32, #tpu.memory_space<hbm>>
      %dma_start3A_82 = tpu.memref_slice %arg5[%add3A_81] : memref<10240xi32, #tpu.memory_space<hbm>> -> memref<128xi32, #tpu.memory_space<hbm>>
      tpu.enqueue_dma source(%dma_start3A_82 : memref<128xi32, #tpu.memory_space<hbm>>) target(%arg8 : memref<128xi32, #tpu.memory_space<vmem>>) target_semaphore(%run_scoped3A : memref<!tpu.dma_semaphore, #tpu.memory_space<semaphore_mem>>)
      %dma_wait3A = tpu.memref_slice %arg5[%add3A_81] : memref<10240xi32, #tpu.memory_space<hbm>> -> memref<128xi32, #tpu.memory_space<hbm>>
      %dma_wait3A_83 = tpu.memref_slice %arg5[%add3A_81] : memref<10240xi32, #tpu.memory_space<hbm>> -> memref<128xi32, #tpu.memory_space<hbm>>
      tpu.wait_dma2 semaphore(%run_scoped3A : memref<!tpu.dma_semaphore, #tpu.memory_space<semaphore_mem>>) src(%dma_wait3A_83 : memref<128xi32, #tpu.memory_space<hbm>>) dst(%arg8 : memref<128xi32, #tpu.memory_space<vmem>>)
      tpu.yield
    }) : () -> ()
    "tpu.region"() ({
      %run_scoped3A = tpu.sem_alloc : memref<!tpu.dma_semaphore, #tpu.memory_space<semaphore_mem>>
      %dma_start3A = arith.constant 0 : i32
      %dma_start3A_82 = arith.constant 0 : i32
      %dma_start3A_83 = tpu.memref_slice %arg13[%dma_start3A, %dma_start3A_82] : memref<10240x128xf32, #tpu.memory_space<vmem_shared>> -> memref<10240x128xf32, #tpu.memory_space<vmem_shared>>
      tpu.enqueue_indirect_dma source(%dma_start3A_83 : memref<10240x128xf32, #tpu.memory_space<vmem_shared>>) target(%arg11 : memref<128x128xf32, #tpu.memory_space<vmem>>) offsets(%arg8 : memref<128xi32, #tpu.memory_space<vmem>>) semaphore(%run_scoped3A : memref<!tpu.dma_semaphore, #tpu.memory_space<semaphore_mem>>)
      %dma_wait3A = arith.constant 0 : i32
      %dma_wait3A_84 = arith.constant 0 : i32
      %dma_wait3A_85 = tpu.memref_slice %arg13[%dma_wait3A, %dma_wait3A_84] : memref<10240x128xf32, #tpu.memory_space<vmem_shared>> -> memref<10240x128xf32, #tpu.memory_space<vmem_shared>>
      tpu.wait_indirect_dma semaphore(%run_scoped3A : memref<!tpu.dma_semaphore, #tpu.memory_space<semaphore_mem>>) src(%dma_wait3A_85 : memref<10240x128xf32, #tpu.memory_space<vmem_shared>>) dst(%arg11 : memref<128x128xf32, #tpu.memory_space<vmem>>)
      tpu.yield
    }) : () -> ()
    "tpu.region"() ({
      %run_scoped3A = tpu.sem_alloc : memref<!tpu.dma_semaphore, #tpu.memory_space<semaphore_mem>>
      %dma_start3A = arith.constant 0 : i32
      %dma_start3A_82 = tpu.memref_slice %arg6[%arg0, %add3A_81, %dma_start3A] : memref<2x10240x128xf32, #tpu.memory_space<hbm>> -> memref<1x128x128xf32, #tpu.memory_space<hbm>>
      %dma_start3A_83 = tpu.memref_squeeze %dma_start3A_82 : memref<1x128x128xf32, #tpu.memory_space<hbm>> -> memref<128x128xf32, #tpu.memory_space<hbm>>
      %dma_start3A_84 = arith.constant 0 : i32
      %dma_start3A_85 = tpu.memref_slice %arg6[%arg0, %add3A_81, %dma_start3A_84] : memref<2x10240x128xf32, #tpu.memory_space<hbm>> -> memref<1x128x128xf32, #tpu.memory_space<hbm>>
      %dma_start3A_86 = tpu.memref_squeeze %dma_start3A_85 : memref<1x128x128xf32, #tpu.memory_space<hbm>> -> memref<128x128xf32, #tpu.memory_space<hbm>>
      tpu.enqueue_dma source(%arg11 : memref<128x128xf32, #tpu.memory_space<vmem>>) target(%dma_start3A_86 : memref<128x128xf32, #tpu.memory_space<hbm>>) target_semaphore(%run_scoped3A : memref<!tpu.dma_semaphore, #tpu.memory_space<semaphore_mem>>)
      %dma_wait3A = arith.constant 0 : i32
      %dma_wait3A_87 = tpu.memref_slice %arg6[%arg0, %add3A_81, %dma_wait3A] : memref<2x10240x128xf32, #tpu.memory_space<hbm>> -> memref<1x128x128xf32, #tpu.memory_space<hbm>>
      %dma_wait3A_88 = tpu.memref_squeeze %dma_wait3A_87 : memref<1x128x128xf32, #tpu.memory_space<hbm>> -> memref<128x128xf32, #tpu.memory_space<hbm>>
      %dma_wait3A_89 = arith.constant 0 : i32
      %dma_wait3A_90 = tpu.memref_slice %arg6[%arg0, %add3A_81, %dma_wait3A_89] : memref<2x10240x128xf32, #tpu.memory_space<hbm>> -> memref<1x128x128xf32, #tpu.memory_space<hbm>>
      %dma_wait3A_91 = tpu.memref_squeeze %dma_wait3A_90 : memref<1x128x128xf32, #tpu.memory_space<hbm>> -> memref<128x128xf32, #tpu.memory_space<hbm>>
      tpu.wait_dma2 semaphore(%run_scoped3A : memref<!tpu.dma_semaphore, #tpu.memory_space<semaphore_mem>>) src(%arg11 : memref<128x128xf32, #tpu.memory_space<vmem>>) dst(%dma_wait3A_91 : memref<128x128xf32, #tpu.memory_space<hbm>>)
      tpu.yield
    }) : () -> ()
    return
  }
}

module attributes {stable_mosaic.version = 14 : i64} {
  func.func @_tc_prescale_body(%arg0: i32, %arg1: memref<1000x128xf32, #tpu.memory_space<vmem>>, %arg2: memref<128x128xf32, #tpu.memory_space<vmem>>, %arg3: memref<2x1000x128xf32, #tpu.memory_space<vmem>>, %arg4: memref<1000x128xf32, #tpu.memory_space<vmem>>) attributes {dimension_semantics = [#tpu.dimension_semantics<arbitrary>], iteration_bounds = array<i64: 10>, scalar_prefetch = 0 : i64, scratch_operands = 0 : i64, tpu.core_type = #tpu.core_type<tc>, window_params = [{transform_indices = @transform_0, window_bounds = array<i64: 1000, 128>}, {pipeline_mode = #tpu.pipeline_mode<synchronous>, transform_indices = @transform_1, window_bounds = array<i64: 128, 128>}, {transform_indices = @transform_2, window_bounds = array<i64: 2, 1000, 128>}, {transform_indices = @transform_3, window_bounds = array<i64: 1000, 128>}]} {
    %get3A = arith.constant 0 : index
    %get3A_0 = arith.constant 0 : index
    %get3A_1 = arith.constant 0 : index
    %get3A_2 = vector.load %arg3[%get3A, %get3A_0, %get3A_1] : memref<2x1000x128xf32, #tpu.memory_space<vmem>>, vector<1x1000x1xf32>
    %get3A_3 = vector.shape_cast %get3A_2 : vector<1x1000x1xf32> to vector<1000x1xf32>
    %get3A_4 = arith.constant 1 : index
    %get3A_5 = arith.constant 0 : index
    %get3A_6 = arith.constant 0 : index
    %get3A_7 = vector.load %arg3[%get3A_4, %get3A_5, %get3A_6] : memref<2x1000x128xf32, #tpu.memory_space<vmem>>, vector<1x1000x1xf32>
    %get3A_8 = vector.shape_cast %get3A_7 : vector<1x1000x1xf32> to vector<1000x1xf32>
    %add3A = arith.addf %get3A_3, %get3A_8 : vector<1000x1xf32>
    %add3A_9 = arith.constant 1.000000e+00 : f32
    %add3A_10 = vector.broadcast %add3A_9 : f32 to vector<1000x1xf32>
    %add3A_11 = arith.addf %add3A, %add3A_10 : vector<1000x1xf32>
    %rsqrt3A = math.rsqrt %add3A_11 : vector<1000x1xf32>
    %get3A_12 = arith.constant 0 : index
    %get3A_13 = arith.constant 0 : index
    %get3A_14 = vector.load %arg1[%get3A_12, %get3A_13] : memref<1000x128xf32, #tpu.memory_space<vmem>>, vector<1000x128xf32>
    %get3A_15 = arith.constant 0 : index
    %get3A_16 = arith.constant 0 : index
    %get3A_17 = vector.load %arg2[%get3A_15, %get3A_16] : memref<128x128xf32, #tpu.memory_space<vmem>>, vector<128x128xf32>
    %dot_general3A = arith.constant dense<0.000000e+00> : vector<1000x128xf32>
    %dot_general3A_18 = tpu.matmul %get3A_14, %get3A_17, %dot_general3A {dimension_numbers = #tpu.dot_dimension_numbers<[1], [0], [0], [1], [0, 0, 1, 1], [], []>, transpose_lhs_hint = false} : vector<1000x128xf32>, vector<128x128xf32>, vector<1000x128xf32> -> vector<1000x128xf32>
    %mul3A = vector.broadcast %rsqrt3A : vector<1000x1xf32> to vector<1000x128xf32>
    %mul3A_19 = arith.mulf %dot_general3A_18, %mul3A : vector<1000x128xf32>
    %swap3A = arith.constant 0 : index
    %swap3A_20 = arith.constant 0 : index
    %swap3A_21 = vector.load %arg4[%swap3A, %swap3A_20] : memref<1000x128xf32, #tpu.memory_space<vmem>>, vector<1000x128xf32>
    tpu.vector_store %arg4[%swap3A, %swap3A_20], %mul3A_19 {strides = array<i32>} : memref<1000x128xf32, #tpu.memory_space<vmem>>, vector<1000x128xf32>,
    return
  }
  func.func @transform_0(%arg0: i32) -> (i32, i32) {
    %c0_i32 = arith.constant 0 : i32
    %c0_i32_0 = arith.constant 0 : i32
    return %arg0, %c0_i32 : i32, i32
  }
  func.func @transform_1(%arg0: i32) -> (i32, i32) {
    %c0_i32 = arith.constant 0 : i32
    %c0_i32_0 = arith.constant 0 : i32
    %c0_i32_1 = arith.constant 0 : i32
    return %c0_i32, %c0_i32_0 : i32, i32
  }
  func.func @transform_2(%arg0: i32) -> (i32, i32, i32) {
    %c0_i32 = arith.constant 0 : i32
    %c0_i32_0 = arith.constant 0 : i32
    %c0_i32_1 = arith.constant 0 : i32
    return %c0_i32, %arg0, %c0_i32_0 : i32, i32, i32
  }
  func.func @transform_3(%arg0: i32) -> (i32, i32) {
    %c0_i32 = arith.constant 0 : i32
    %c0_i32_0 = arith.constant 0 : i32
    return %arg0, %c0_i32 : i32, i32
  }
}

module attributes {stable_mosaic.version = 14 : i64} {
  func.func @_tc_combine_body(%arg0: i32, %arg1: memref<2x1000x128xf32, #tpu.memory_space<vmem>>, %arg2: memref<1000x128xf32, #tpu.memory_space<vmem>>, %arg3: memref<2x1000x128xf32, #tpu.memory_space<vmem>>, %arg4: memref<1000x128xf32, #tpu.memory_space<vmem>>, %arg5: memref<128x128xf32, #tpu.memory_space<vmem>>, %arg6: memref<1x128xf32, #tpu.memory_space<vmem>>, %arg7: memref<1000x128xf32, #tpu.memory_space<vmem>>) attributes {dimension_semantics = [#tpu.dimension_semantics<arbitrary>], iteration_bounds = array<i64: 10>, scalar_prefetch = 0 : i64, scratch_operands = 0 : i64, tpu.core_type = #tpu.core_type<tc>, window_params = [{transform_indices = @transform_0, window_bounds = array<i64: 2, 1000, 128>}, {transform_indices = @transform_1, window_bounds = array<i64: 1000, 128>}, {transform_indices = @transform_2, window_bounds = array<i64: 2, 1000, 128>}, {transform_indices = @transform_3, window_bounds = array<i64: 1000, 128>}, {pipeline_mode = #tpu.pipeline_mode<synchronous>, transform_indices = @transform_4, window_bounds = array<i64: 128, 128>}, {pipeline_mode = #tpu.pipeline_mode<synchronous>, transform_indices = @transform_5, window_bounds = array<i64: 1, 128>}, {transform_indices = @transform_6, window_bounds = array<i64: 1000, 128>}]} {
    %get3A = arith.constant 0 : index
    %get3A_0 = arith.constant 0 : index
    %get3A_1 = arith.constant 0 : index
    %get3A_2 = vector.load %arg3[%get3A, %get3A_0, %get3A_1] : memref<2x1000x128xf32, #tpu.memory_space<vmem>>, vector<1x1000x1xf32>
    %get3A_3 = vector.shape_cast %get3A_2 : vector<1x1000x1xf32> to vector<1000x1xf32>
    %get3A_4 = arith.constant 1 : index
    %get3A_5 = arith.constant 0 : index
    %get3A_6 = arith.constant 0 : index
    %get3A_7 = vector.load %arg3[%get3A_4, %get3A_5, %get3A_6] : memref<2x1000x128xf32, #tpu.memory_space<vmem>>, vector<1x1000x1xf32>
    %get3A_8 = vector.shape_cast %get3A_7 : vector<1x1000x1xf32> to vector<1000x1xf32>
    %add3A = arith.addf %get3A_3, %get3A_8 : vector<1000x1xf32>
    %add3A_9 = arith.constant 1.000000e+00 : f32
    %add3A_10 = vector.broadcast %add3A_9 : f32 to vector<1000x1xf32>
    %add3A_11 = arith.addf %add3A, %add3A_10 : vector<1000x1xf32>
    %rsqrt3A = math.rsqrt %add3A_11 : vector<1000x1xf32>
    %get3A_12 = arith.constant 0 : index
    %get3A_13 = arith.constant 0 : index
    %get3A_14 = vector.load %arg4[%get3A_12, %get3A_13] : memref<1000x128xf32, #tpu.memory_space<vmem>>, vector<1000x128xf32>
    %get3A_15 = arith.constant 0 : index
    %get3A_16 = arith.constant 0 : index
    %get3A_17 = vector.load %arg5[%get3A_15, %get3A_16] : memref<128x128xf32, #tpu.memory_space<vmem>>, vector<128x128xf32>
    %dot_general3A = arith.constant dense<0.000000e+00> : vector<1000x128xf32>
    %dot_general3A_18 = tpu.matmul %get3A_14, %get3A_17, %dot_general3A {dimension_numbers = #tpu.dot_dimension_numbers<[1], [0], [0], [1], [0, 0, 1, 1], [], []>, transpose_lhs_hint = false} : vector<1000x128xf32>, vector<128x128xf32>, vector<1000x128xf32> -> vector<1000x128xf32>
    %get3A_19 = arith.constant 0 : index
    %get3A_20 = arith.constant 0 : index
    %get3A_21 = arith.constant 0 : index
    %get3A_22 = vector.load %arg1[%get3A_19, %get3A_20, %get3A_21] : memref<2x1000x128xf32, #tpu.memory_space<vmem>>, vector<1x1000x128xf32>
    %get3A_23 = vector.shape_cast %get3A_22 : vector<1x1000x128xf32> to vector<1000x128xf32>
    %get3A_24 = arith.constant 1 : index
    %get3A_25 = arith.constant 0 : index
    %get3A_26 = arith.constant 0 : index
    %get3A_27 = vector.load %arg1[%get3A_24, %get3A_25, %get3A_26] : memref<2x1000x128xf32, #tpu.memory_space<vmem>>, vector<1x1000x128xf32>
    %get3A_28 = vector.shape_cast %get3A_27 : vector<1x1000x128xf32> to vector<1000x128xf32>
    %add3A_29 = arith.addf %get3A_23, %get3A_28 : vector<1000x128xf32>
    %get3A_30 = arith.constant 0 : index
    %get3A_31 = arith.constant 0 : index
    %get3A_32 = vector.load %arg2[%get3A_30, %get3A_31] : memref<1000x128xf32, #tpu.memory_space<vmem>>, vector<1000x128xf32>
    %add3A_33 = arith.addf %add3A_29, %get3A_32 : vector<1000x128xf32>
    %mul3A = vector.broadcast %rsqrt3A : vector<1000x1xf32> to vector<1000x128xf32>
    %mul3A_34 = arith.mulf %mul3A, %add3A_33 : vector<1000x128xf32>
    %add3A_35 = arith.addf %mul3A_34, %dot_general3A_18 : vector<1000x128xf32>
    %get3A_36 = arith.constant 0 : index
    %get3A_37 = arith.constant 0 : index
    %get3A_38 = vector.load %arg6[%get3A_36, %get3A_37] : memref<1x128xf32, #tpu.memory_space<vmem>>, vector<1x128xf32>
    %add3A_39 = vector.broadcast %get3A_38 : vector<1x128xf32> to vector<1000x128xf32>
    %add3A_40 = arith.addf %add3A_35, %add3A_39 : vector<1000x128xf32>
    %swap3A = arith.constant 0 : index
    %swap3A_41 = arith.constant 0 : index
    %swap3A_42 = vector.load %arg7[%swap3A, %swap3A_41] : memref<1000x128xf32, #tpu.memory_space<vmem>>, vector<1000x128xf32>
    tpu.vector_store %arg7[%swap3A, %swap3A_41], %add3A_40 {strides = array<i32>} : memref<1000x128xf32, #tpu.memory_space<vmem>>, vector<1000x128xf32>,
    return
  }
  func.func @transform_0(%arg0: i32) -> (i32, i32, i32) {
    %c0_i32 = arith.constant 0 : i32
    %c0_i32_0 = arith.constant 0 : i32
    %c0_i32_1 = arith.constant 0 : i32
    return %c0_i32, %arg0, %c0_i32_0 : i32, i32, i32
  }
  func.func @transform_1(%arg0: i32) -> (i32, i32) {
    %c0_i32 = arith.constant 0 : i32
    %c0_i32_0 = arith.constant 0 : i32
    return %arg0, %c0_i32 : i32, i32
  }
  func.func @transform_2(%arg0: i32) -> (i32, i32, i32) {
    %c0_i32 = arith.constant 0 : i32
    %c0_i32_0 = arith.constant 0 : i32
    %c0_i32_1 = arith.constant 0 : i32
    return %c0_i32, %arg0, %c0_i32_0 : i32, i32, i32
  }
  func.func @transform_3(%arg0: i32) -> (i32, i32) {
    %c0_i32 = arith.constant 0 : i32
    %c0_i32_0 = arith.constant 0 : i32
    return %arg0, %c0_i32 : i32, i32
  }
  func.func @transform_4(%arg0: i32) -> (i32, i32) {
    %c0_i32 = arith.constant 0 : i32
    %c0_i32_0 = arith.constant 0 : i32
    %c0_i32_1 = arith.constant 0 : i32
    return %c0_i32, %c0_i32_0 : i32, i32
  }
  func.func @transform_5(%arg0: i32) -> (i32, i32) {
    %c0_i32 = arith.constant 0 : i32
    %c0_i32_0 = arith.constant 0 : i32
    %c0_i32_1 = arith.constant 0 : i32
    return %c0_i32, %c0_i32_0 : i32, i32
  }
  func.func @transform_6(%arg0: i32) -> (i32, i32) {
    %c0_i32 = arith.constant 0 : i32
    %c0_i32_0 = arith.constant 0 : i32
    return %arg0, %c0_i32 : i32, i32
  }
}

</mosaic_0001>

<sc_bundles>
// kernel: kernel.6.cloned.1.call-start
scs
__scs_entry_jumppad:
0x0: {  	(pc) =	sbr.rel $0x88, $3  }
0x1: {  	(tag) =	ssettag $0x0;
	lr =	simm.s32 $0x1  }
0x2: {  	[smem:$0x3F9A] =	sst lr;
	_ =	strace $0xD0000000  }
0x3: {  	_ = 	snop  }
0x4: {  	_ = 	snop  }
0x5: {  	_ = 	snop  }
0x6: {  	_ = 	snop  }
0x7: {  	_ = 	snop  }
__scs_overlays_trampoline_lowered:
0x8: {  	[smem:$0x3FA9] =	sst s0  }
0x9: {  	[smem:$0x3FAA] =	sst s1  }
0xa: {  	[smem:$0x3FAB] =	sst s2  }
0xb: {  	[smem:$0x3FAC] =	sst s3  }
0xc: {  	[smem:$0x3FAD] =	sst s4  }
0xd: {  	[smem:$0x3FAE] =	sst s5  }
0xe: {  	[smem:$0x3FAF] =	sst s6  }
0xf: {  	[smem:$0x3FB0] =	sst s7  }
0x10: {  	[smem:$0x3FB1] =	sst s8  }
0x11: {  	[smem:$0x3FB2] =	sst s9;
	s0 =	simm.s32 @!p0 $0x0  }
0x12: {  	s1 =	sld [smem:$0x3F98];
	s0 =	simm.s32 @p0 $0x1  }
0x13: {  	[smem:$0x3FB3] =	sst s0;
	s0 =	simm.s32 @!p1 $0x0  }
0x14: {  	s2 =	sld [smem:$0x3F97];
	s0 =	simm.s32 @p1 $0x1  }
0x15: {  	[smem:$0x3FB4] =	sst s0;
	s0 =	simm.s32 @!p2 $0x0  }
0x16: {  	s3 =	sld [smem:$0x3FDB];
	s0 =	simm.s32 @p2 $0x1  }
0x17: {  	s4 =	simm.s32 $0x1BF5;
	[smem:$0x3FB6] =	sst s0  }
0x18: {  	s0 =	sld [smem:$0x3F99];
	_ =	swait.ge [sflag:s4], $0x0  }
0x19: {  	s7 =	sld [smem:$0x3F9A]  }
0x1a: {  	s8 =	sadd.s32 $0xFFFFE003, lr  }
0x1b: {  	s9 =	sadd.s32 $0xFFFFFEF7, lr;
	s5 =	simm.s32 $0xFFFFFFFF;
	p2 =	slt.u32 s8, $0xFFFFF086  }
0x1c: {  	p1 =	slt.u32 s9, $0xF7A;
	s5 =	simm.s32 @!p2 $0x0  }
0x1d: {  	s5 =	simm.s32 @p1 $0x1;
	p0 =	seq.s32 s7, s2  }
0x1e: {  	s7 =	smul.u32 @!p0 $0xF7A, s2;
	p2 =	seq.s32 @!p0 s5, $0x0  }
0x1f: {  	s9 =	smul.u32 $0xF7A, s1;
	s8 =	simm.s32 @!p0 $0x1BF5;
	p2 =	por !p2, p0  }
0x20: {  	[sflag:s8] =	ssyncset.s32 @!p0 $0xFFFFF086;
	s6 =	sadd.s32 @!p0 s3, s7;
	s7 =	simm.s32 @!p0 $0x108  }
0x21: {  	s3 =	sadd.s32 s3, s9;
	s6 =	sadd.s32 @!p0 $0x88, s6;
	s7 =	simm.s32 @p2 $0x1082  }
0x22: {  	[simem:s7], [sflag:s8] =	dma.local @!p0 [hbm:s6], $0xF7A  }
0x23: {  	s9 =	sor.u32 $0xD0000000, s2;
	s6 =	simm.s32 $0x108;
	_ =	swait.ge @!p0 [sflag:s8], $0x0  }
0x24: {  	s3 =	sadd.s32 $0x88, s3;
	s6 =	simm.s32 @!p1 $0x1082;
	[sflag:s4] =	ssyncset.s32 $0xFFFFF086  }
0x25: {  	[simem:s6], [sflag:s4] =	dma.local [hbm:s3], $0xF7A  }
0x26: {  	[smem:$0x3F9A] =	sst s1;
	(tag) =	ssettag s2;
	_ =	strace s9  }
0x27: {  	s1 =	sld [smem:$0x3FAA]  }
0x28: {  	s2 =	sld [smem:$0x3FAB]  }
0x29: {  	s4 =	sld [smem:$0x3FAD]  }
0x2a: {  	p0 =	seq.s32 s5, $0x0;
	s5 =	sld [smem:$0x3FAE]  }
0x2b: {  	s6 =	sld [smem:$0x3FAF]  }
0x2c: {  	s7 =	sld [smem:$0x3FB0]  }
0x2d: {  	s3 =	simm.s32 $0x108;
	s8 =	sld [smem:$0x3FB1]  }
0x2e: {  	s3 =	simm.s32 @!p0 $0x1082;
	s9 =	sld [smem:$0x3FB2]  }
0x2f: {  	lr =	sadd.s32 s0, s3;
	s0 =	sld [smem:$0x3FA9]  }
0x30: {  	s3 =	sld [smem:$0x3FAC]  }
0x31: {  	[smem:$0x3FB5] =	sst s10  }
0x32: {  	s10 =	sld [smem:$0x3FB3];
	_ =	sdelay $0x3  }
0x33: {  	p0 =	seq.s32 s10, $0x1;
	s10 =	sld [smem:$0x3FB5];
	_ =	sdelay $0x3  }
0x34: {  	[smem:$0x3FB5] =	sst s10  }
0x35: {  	s10 =	sld [smem:$0x3FB4];
	_ =	sdelay $0x3  }
0x36: {  	p1 =	seq.s32 s10, $0x1;
	s10 =	sld [smem:$0x3FB5];
	_ =	sdelay $0x3  }
0x37: {  	[smem:$0x3FB5] =	sst s10  }
0x38: {  	s10 =	sld [smem:$0x3FB6]  }
0x39: {  	_ = 	snop;
	(pc) =	sbr.ind lr, $3  }
0x3a: {  	_ = 	snop  }
0x3b: {  	_ = 	snop  }
0x3c: {  	p2 =	seq.s32 s10, $0x1;
	s10 =	sld [smem:$0x3FB5]  }
0x3d: {  	_ =	shalt  }
0x3e: {  	_ =	shalt  }
0x3f: {  	_ =	shalt  }
0x40: {  	_ =	shalt  }
0x41: {  	_ =	shalt  }
0x42: {  	_ =	shalt  }
0x43: {  	_ =	shalt  }
0x44: {  	_ =	shalt  }
0x45: {  	_ =	shalt  }
0x46: {  	_ =	shalt  }
0x47: {  	_ =	shalt  }
0x48: {  	_ =	shalt  }
0x49: {  	_ =	shalt  }
0x4a: {  	_ =	shalt  }
0x4b: {  	_ =	shalt  }
0x4c: {  	_ =	shalt  }
0x4d: {  	_ =	shalt  }
0x4e: {  	_ =	shalt  }
0x4f: {  	_ =	shalt  }
0x50: {  	_ =	shalt  }
0x51: {  	_ =	shalt  }
0x52: {  	_ =	shalt  }
0x53: {  	_ =	shalt  }
0x54: {  	_ =	shalt  }
0x55: {  	_ =	shalt  }
0x56: {  	_ =	shalt  }
0x57: {  	_ =	shalt  }
0x58: {  	_ =	shalt  }
0x59: {  	_ =	shalt  }
0x5a: {  	_ =	shalt  }
0x5b: {  	_ =	shalt  }
0x5c: {  	_ =	shalt  }
0x5d: {  	_ =	shalt  }
0x5e: {  	_ =	shalt  }
0x5f: {  	_ =	shalt  }
0x60: {  	_ =	shalt  }
0x61: {  	_ =	shalt  }
0x62: {  	_ =	shalt  }
0x63: {  	_ =	shalt  }
0x64: {  	_ =	shalt  }
0x65: {  	_ =	shalt  }
0x66: {  	_ =	shalt  }
0x67: {  	_ =	shalt  }
0x68: {  	_ =	shalt  }
0x69: {  	_ =	shalt  }
0x6a: {  	_ =	shalt  }
0x6b: {  	_ =	shalt  }
0x6c: {  	_ =	shalt  }
0x6d: {  	_ =	shalt  }
0x6e: {  	_ =	shalt  }
0x6f: {  	_ =	shalt  }
0x70: {  	_ =	shalt  }
0x71: {  	_ =	shalt  }
0x72: {  	_ =	shalt  }
0x73: {  	_ =	shalt  }
0x74: {  	_ =	shalt  }
0x75: {  	_ =	shalt  }
0x76: {  	_ =	shalt  }
0x77: {  	_ =	shalt  }
0x78: {  	_ =	shalt  }
0x79: {  	_ =	shalt  }
0x7a: {  	_ =	shalt  }
0x7b: {  	_ =	shalt  }
0x7c: {  	_ =	shalt  }
0x7d: {  	_ =	shalt  }
0x7e: {  	_ =	shalt  }
0x7f: {  	_ =	shalt  }
0x80: {  	_ =	shalt  }
0x81: {  	_ =	shalt  }
0x82: {  	_ =	shalt  }
0x83: {  	_ =	shalt  }
0x84: {  	_ =	shalt  }
0x85: {  	_ =	shalt  }
0x86: {  	_ =	shalt  }
0x87: {  	_ =	shalt  }
.Lfunc_end0:
.L_simem_size_0:
called_computation_lowered:
.L_overlay_start_0:
0x88: {  	s2 =	sld [smem:$0x3FD9]  }
0x89: {  	s3 =	sld [smem:$0x3FFE];
	_ =	sdelay $0x1  }
0x8a: {  	s1 =	srdreg.scid  }
0x8b: {  	s0 =	sand.u32 $0x1, s1  }
0x8c: {  	s17 =	sshll.u32 s0, $0xA;
	s2 =	sadd.s32 s3, s2  }
0x8d: {  	s2 =	sadd.s32 s2, s17  }
0x8e: {  	[smem:$0x3FC1] =	sst s2  }
0x8f: {  	_ = 	snop  }
0x90: {  	s2 =	sld [smem:$0x3FC8]  }
0x91: {  	s18 =	sld [smem:$0x3FD0];
	(tm) =	ssettm $0x1  }
0x92: {  	s4 =	sld [smem:$0x3FFB];
	_ =	sdelay $0x3  }
0x93: {  	_ =	strace s4  }
0x94: {  	s4 =	sld [smem:$0x3FFC];
	_ =	sdelay $0x3  }
0x95: {  	_ =	strace s4  }
0x96: {  	s4 =	sld [smem:$0x3FFD];
	_ =	sdelay $0x3  }
0x97: {  	_ =	strace s4  }
0x98: {  	_ =	strace $0x8FFFFFFF  }
0x99: {  	s19 =	sld [smem:$0x3FDB];
	_ =	sdelay $0x1  }
0x9a: {  	s5 =	simm.s32 $_scs_section_size  }
0x9b: {  	s6 =	simm.s32 $_size__tile_overlayer_lowered;
	s7 =	simm.s32 $_tile_overlayer_lowered  }
0x9c: {  	s22 =	simm.s32 $0x1BFF;
	s21 =	sshll.u32 s7, $0x1;
	s4 =	sadd.s32 s5, s19  }
0x9d: {  	s8 =	simm.s32 $0x0;
	s20 =	sshll.u32 s6, $0x1;
	s6 =	sadd.s32 s21, s4  }
0x9e: {  	[timem:s8], [sflag:s22] =	dma.local [hbm:s6], s20  }
0x9f: {  	_ =	swait.ge [sflag:s22], s20  }
0xa0: {  	s5 =	ssub.s32 $0x0, s20;
	[sflag:s22] =	ssyncset.done $0x0  }
0xa1: {  	[sflag:s22] =	ssyncadd.s32 s5;
	_ =	sdelay $0x1  }
0xa2: {  	s23 =	simm.s32 $0x1B8B  }
0xa3: {  	_ =	swait.ge [sflag:s23], $0x1  }
0xa4: {  	[sflag:s23] =	ssyncset.done $0x0  }
0xa5: {  	s25 =	simm.s32 $0x1B8E;
	s24 =	sld [smem:$0x3FFE];
	[sflag:s23] =	ssyncadd.s32 $0xFFFFFFFF  }
0xa6: {  	s26 =	simm.s32 $execute0_lowered;
	[smem:$0x3FD2] =	sst s25  }
0xa7: {  	s6 =	sshll.u32 s26, $0x1;
	_ =	strace $0x80000046;
	[dreg:$0x1] =	wrdreg $0xFFFFFFFF  }
0xa8: {  	s28 =	simm.s32 $_size_execute0_lowered;
	s4 =	sadd.s32 s4, s6;
	[dreg:$0x0] =	wrdreg $0x0  }
0xa9: {  	s6 =	sshll.u32 s28, $0x1;
	[dreg:$0x2] =	wrdreg s4  }
0xaa: {  	[dreg:$0x3] =	wrdreg s6  }
0xab: {  	[dreg:$0x4] =	wrdreg $0xC0  }
0xac: {  	_ =	task [dreg:s8], $0x5FFFF  }
0xad: {  	[dreg:$0x1] =	wrdreg $0xFFFFFFFF  }
0xae: {  	[dreg:$0x0] =	wrdreg $0x60  }
0xaf: {  	[dreg:$0x2] =	wrdreg s2  }
0xb0: {  	[dreg:$0x3] =	wrdreg s24  }
0xb1: {  	[dreg:$0x4] =	wrdreg s18  }
0xb2: {  	[dreg:$0x5] =	wrdreg $0x80800  }
0xb3: {  	[dreg:$0x6] =	wrdreg $0x9  }
0xb4: {  	_ =	task.clear_ibuf [dreg:s8], $0x7FFFF;
	_ =	strace $0x90000046  }
0xb5: {  	s29 =	simm.s32 $0x9;
	_ =	strace $0x80000048  }
0xb6: {  	_ =	swait.ge [sflag:s29], $0x1  }
0xb7: {  	[sflag:s29] =	ssyncadd.s32 $0xFFFFFFFF  }
0xb8: {  	_ =	strace $0x90000048  }
0xb9: {  	_ =	sfence  }
0xba: {  	s30 =	sld [smem:$0x0];
	_ =	sdelay $0x2  }
0xbb: {  	s31 =	sshll.u32 s1, $0xD;
	s1 =	sshrl.u32 s1, $0x2  }
0xbc: {  	s3 =	sand.u32 $0x4000, s31;
	s1 =	sadd.s32 s1, s30  }
0xbd: {  	s0 =	sor.u32 s3, s0;
	s1 =	sshll.u32 s1, $0x11  }
0xbe: {  	s0 =	sor.u32 s1, s0  }
0xbf: {  	s0 =	sadd.s32 $0x8F2B, s0  }
0xc0: {  	[sflag:s0] =	ssyncadd.remote.s32 $0x1  }
0xc1: {  	_ =	sfence.sel $0xFFFF  }
0xc2: {  	[dreg:$0x0] =	wrdreg $0xFFFFFFFF;
	(pc) =	sbr.abs _section_cstart, $3  }
0xc3: {  	[dreg:$0x1] =	wrdreg $0xFFFFFFFF  }
0xc4: {  	_ =	task.clear_ibuf [dreg:s8], $0x2FFFF;
	_ =	strace $0x9FFFFFFF  }
0xc5: {  	(tm) =	ssettm $0x7FFFFFFF  }
tec
execute0_lowered:
.L_overlay_start_1:
0x0: {  	(tag) =	ssettag $0x1  }
0x1: {  	s18 =	rddreg [dreg:$0x0]  }
0x2: {  	s12 =	rddreg [dreg:$0x1]  }
0x3: {  	s1 =	rddreg [dreg:$0x2]  }
0x4: {  	s2 =	rddreg [dreg:$0x3]  }
0x5: {  	s0 =	rddreg [dreg:$0x4]  }
0x6: {  	s4 =	simm.s32 $0x0;
	s5 =	srdreg.scid;
	s3 =	stileid.u32  }
0x7: {  	[smem:$0x7FF] =	sst s4;
	s13 =	sand.u32 $0x1, s5;
	s10 =	smul.u32 $0x280, s3  }
0x8: {  	s5 =	sadd.s32 $0x2800, s12;
	s11 =	sadd.s32 $0x2200, s12;
	s31 =	smul.u32 $0x4E, s3  }
0x9: {  	s25 =	sadd.s32 $0x3000, s12;
	_ =	strace $0x80000047;
	s23 =	smul.u32 $0x4E0, s13  }
0xa: {  	s6 =	ssub.s32 $0x2, s13;
	s8 =	sshll.u32 s13, $0x4;
	s24 =	smul.u32 $0x140000, s13  }
0xb: {  	s7 =	sshrl.u32 s6, $0x1;
	s14 =	sor.u32 s3, s8;
	s28 =	sshrl.u32 s10, $0x3  }
0xc: {  	s15 =	sadd.s32 $0x80, s10;
	s16 =	sadd.s32 $0x100, s10;
	s17 =	sadd.s32 $0x180, s10  }
0xd: {  	s20 =	sadd.s32 $0x200, s10;
	s19 =	ssub.s32 s6, s7;
	s6 =	sadd.s32 s11, s28  }
0xe: {  	s29 =	sshrl.u32 s15, $0x3;
	s30 =	sshrl.u32 s16, $0x3;
	s9 =	sshrl.u32 s17, $0x3  }
0xf: {  	s21 =	smul.u32 $0x4E, s14;
	s10 =	sshrl.u32 s20, $0x3;
	s22 =	smin.u32 s14, $0x4  }
0x10: {  	p0 =	slt.u32 s14, $0x4;
	s14 =	simm.s32 $0x4F;
	s26 =	sshll.u32 s15, $0x7  }
0x11: {  	s28 =	sshll.u32 s16, $0x7;
	s7 =	sadd.s32 s11, s29;
	s8 =	sadd.s32 s11, s30  }
0x12: {  	s9 =	sadd.s32 s11, s9;
	s10 =	sadd.s32 s11, s10;
	s14 =	simm.s32 @!p0 $0x4E  }
0x13: {  	s15 =	sadd.s32 s24, s28;
	s29 =	sshll.u32 s17, $0x7;
	s30 =	sshll.u32 s20, $0x7  }
0x14: {  	s11 =	sadd.s32 s22, s21;
	s21 =	sadd.s32 s31, s23;
	s23 =	smul.u32 $0x14000, s3  }
0x15: {  	s15 =	sshrl.u32 s15, $0x3;
	s16 =	sadd.s32 s24, s29;
	s17 =	sadd.s32 s24, s30  }
0x16: {  	s12 =	sadd.s32 s14, s11;
	s14 =	sadd.s32 s24, s26;
	s15 =	sadd.s32 s25, s15  }
0x17: {  	s31 =	sadd.s32 s22, s21;
	s16 =	sshrl.u32 s16, $0x3;
	s17 =	sshrl.u32 s17, $0x3  }
0x18: {  	s21 =	simm.s32 $0x1;
	s22 =	simm.s32 $0x80;
	s13 =	sadd.s32 s23, s24  }
0x19: {  	s14 =	sshrl.u32 s14, $0x3;
	s20 =	sshll.u32 s31, $0x5;
	s16 =	sadd.s32 s25, s16  }
0x1a: {  	s17 =	sadd.s32 s25, s17;
	s23 =	simm.s32 $0x0;
	s13 =	sshrl.u32 s13, $0x3  }
0x1b: {  	s14 =	sadd.s32 s25, s14;
	s20 =	sadd.s32 s20, s18;
	s18 =	smax.u32 s19, $0x1  }
0x1c: {  	s13 =	sadd.s32 s25, s13;
	s19 =	sadd.s32 $0x10, s20;
	s20 =	simm.s32 $0x4080  }
.LBB2_1:
0x1d: {  	[tilespmem:s20], [sflag:$0x1] =	stream.linear.gather [hbm4b:s5+s4], $0x4000, $0x38;
	[tilespmem:$0x1C080] =	vst v63  }
0x1e: {  	_ =	swait.ge [sflag:s21], $0x4000  }
0x1f: {  	[sflag:s21] =	ssyncset.done $0x0  }
0x20: {  	[sflag:s21] =	ssyncadd.s32 $0xFFFFC000  }
0x21: {  	[tilespmem:s22], [sflag:$0x1] =	stream.linear.gather [hbm4b:s1+s4], $0x4000, $0x38;
	[tilespmem:$0x1C080] =	vst v63  }
0x22: {  	_ =	swait.ge [sflag:s21], $0x4000  }
0x23: {  	[sflag:s21] =	ssyncset.done $0x0  }
0x24: {  	[sflag:s21] =	ssyncadd.s32 $0xFFFFC000  }
0x25: {  	[tilespmem:s4], [sflag:$0x1] =	stream.linear.gather [hbm4b:s6+s4], $0x80, $0x38;
	[tilespmem:$0x1C080] =	vst v63  }
0x26: {  	_ =	swait.ge [sflag:s21], $0x80  }
0x27: {  	[sflag:s21] =	ssyncset.done $0x0  }
0x28: {  	[sflag:s21] =	ssyncadd.s32 $0xFFFFFF80  }
0x29: {  	[spmem:s2] =	stream.indirect.scatter [tilespmem:s20], [sflag:$0x1], $0x80, s4, s22, $0xb8;
	[tilespmem:$0x1C080] =	vst v63  }
0x2a: {  	_ =	swait.ge [sflag:s21], $0x4000  }
0x2b: {  	[sflag:s21] =	ssyncset.done $0x0  }
0x2c: {  	[sflag:s21] =	ssyncadd.s32 $0xFFFFC000  }
0x2d: {  	[tilespmem:s4], [sflag:$0x1] =	stream.linear.gather [hbm4b:s7+s4], $0x80, $0x38;
	[tilespmem:$0x1C080] =	vst v63  }
0x2e: {  	_ =	swait.ge [sflag:s21], $0x80  }
0x2f: {  	[sflag:s21] =	ssyncset.done $0x0  }
0x30: {  	[sflag:s21] =	ssyncadd.s32 $0xFFFFFF80  }
0x31: {  	[spmem:s2] =	stream.indirect.scatter [tilespmem:s20], [sflag:$0x1], $0x80, s4, s22, $0xb8;
	[tilespmem:$0x1C080] =	vst v63  }
0x32: {  	_ =	swait.ge [sflag:s21], $0x4000  }
0x33: {  	[sflag:s21] =	ssyncset.done $0x0  }
0x34: {  	[sflag:s21] =	ssyncadd.s32 $0xFFFFC000  }
0x35: {  	[tilespmem:s4], [sflag:$0x1] =	stream.linear.gather [hbm4b:s8+s4], $0x80, $0x38;
	[tilespmem:$0x1C080] =	vst v63  }
0x36: {  	_ =	swait.ge [sflag:s21], $0x80  }
0x37: {  	[sflag:s21] =	ssyncset.done $0x0  }
0x38: {  	[sflag:s21] =	ssyncadd.s32 $0xFFFFFF80  }
0x39: {  	[spmem:s2] =	stream.indirect.scatter [tilespmem:s20], [sflag:$0x1], $0x80, s4, s22, $0xb8;
	[tilespmem:$0x1C080] =	vst v63  }
0x3a: {  	_ =	swait.ge [sflag:s21], $0x4000  }
0x3b: {  	[sflag:s21] =	ssyncset.done $0x0  }
0x3c: {  	[sflag:s21] =	ssyncadd.s32 $0xFFFFC000  }
0x3d: {  	[tilespmem:s4], [sflag:$0x1] =	stream.linear.gather [hbm4b:s9+s4], $0x80, $0x38;
	[tilespmem:$0x1C080] =	vst v63  }
0x3e: {  	_ =	swait.ge [sflag:s21], $0x80  }
0x3f: {  	[sflag:s21] =	ssyncset.done $0x0  }
0x40: {  	[sflag:s21] =	ssyncadd.s32 $0xFFFFFF80  }
0x41: {  	[spmem:s2] =	stream.indirect.scatter [tilespmem:s20], [sflag:$0x1], $0x80, s4, s22, $0xb8;
	[tilespmem:$0x1C080] =	vst v63  }
0x42: {  	_ =	swait.ge [sflag:s21], $0x4000  }
0x43: {  	[sflag:s21] =	ssyncset.done $0x0  }
0x44: {  	[sflag:s21] =	ssyncadd.s32 $0xFFFFC000  }
0x45: {  	[tilespmem:s4], [sflag:$0x1] =	stream.linear.gather [hbm4b:s10+s4], $0x80, $0x38;
	[tilespmem:$0x1C080] =	vst v63  }
0x46: {  	_ =	swait.ge [sflag:s21], $0x80  }
0x47: {  	[sflag:s21] =	ssyncset.done $0x0  }
0x48: {  	[sflag:s21] =	ssyncadd.s32 $0xFFFFFF80  }
0x49: {  	[spmem:s2] =	stream.indirect.scatter [tilespmem:s20], [sflag:$0x1], $0x80, s4, s22, $0xb8;
	[tilespmem:$0x1C080] =	vst v63  }
0x4a: {  	_ =	swait.ge [sflag:s21], $0x4000  }
0x4b: {  	[sflag:s21] =	ssyncset.done $0x0  }
0x4c: {  	[sflag:s21] =	ssyncadd.s32 $0xFFFFC000  }
0x4d: {  	s24 =	sadd.s32 $0x1, s11;
	[bflag:$0x0] =	sbarrier.arrive $0xFFFF  }
0x4e: {  	[tilespmem:s4], [sflag:$0x1] =	stream.linear.gather [hbm4b:s19+s4], $0x80, $0x38;
	[tilespmem:$0x1C080] =	vst v63  }
0x4f: {  	p0 =	slt.u32 s24, s12;
	_ =	swait.ge [sflag:s21], $0x80  }
.Ltmp0:
0x50: {  	[sflag:s21] =	ssyncset.done $0x0;
	(pc) =	sbr.rel @!p0 .LBB2_3-.Ltmp0, $4  }
0x51: {  	[sflag:s21] =	ssyncadd.s32 $0xFFFFFF80  }
0x52: {  	[spmem:s2] =	stream.indirect.scatter.add.f32 [tilespmem:s22], [sflag:$0x1], $0x80, s4, s22, $0xb8;
	[tilespmem:$0x1C080] =	vst v63  }
0x53: {  	_ =	swait.ge [sflag:s21], $0x4000  }
0x54: {  	s25 =	smov.u32 s19;
	[sflag:s21] =	ssyncset.done $0x0  }
.LBB2_2:
0x55: {  	s24 =	sadd.s32 $0x1, s24;
	[sflag:s21] =	ssyncadd.s32 $0xFFFFC000;
	s25 =	sadd.s32 $0x20, s25  }
0x56: {  	[tilespmem:s4], [sflag:$0x1] =	stream.linear.gather [hbm4b:s25+s4], $0x80, $0x38;
	[tilespmem:$0x1C080] =	vst v63  }
0x57: {  	p0 =	slt.u32 s24, s12;
	_ =	swait.ge [sflag:s21], $0x80  }
.Ltmp1:
0x58: {  	[sflag:s21] =	ssyncset.done $0x0;
	(pc) =	sbr.rel @p0 .LBB2_2-.Ltmp1, $4  }
0x59: {  	[sflag:s21] =	ssyncadd.s32 $0xFFFFFF80  }
0x5a: {  	[spmem:s2] =	stream.indirect.scatter.add.f32 [tilespmem:s22], [sflag:$0x1], $0x80, s4, s22, $0xb8;
	[tilespmem:$0x1C080] =	vst v63  }
0x5b: {  	_ =	swait.ge [sflag:s21], $0x4000  }
0x5c: {  	[sflag:s21] =	ssyncset.done $0x0  }
.LBB2_3:
0x5d: {  	[sflag:s21] =	ssyncadd.s32 $0xFFFFC000  }
0x5e: {  	[bflag:$0x0] =	sbarrier.arrive $0xFFFF  }
0x5f: {  	[tilespmem:s4], [sflag:$0x1] =	stream.linear.gather [hbm4b:s6+s4], $0x80, $0x38;
	[tilespmem:$0x1C080] =	vst v63  }
0x60: {  	_ =	swait.ge [sflag:s21], $0x80  }
0x61: {  	[sflag:s21] =	ssyncset.done $0x0  }
0x62: {  	[sflag:s21] =	ssyncadd.s32 $0xFFFFFF80  }
0x63: {  	[tilespmem:s20], [sflag:$0x1] =	stream.indirect.gather [spmem:s2], $0x80, s4, s22, $0xb8;
	[tilespmem:$0x1C080] =	vst v63  }
0x64: {  	_ =	swait.ge [sflag:s21], $0x4000  }
0x65: {  	[sflag:s21] =	ssyncset.done $0x0  }
0x66: {  	[sflag:s21] =	ssyncadd.s32 $0xFFFFC000  }
0x67: {  	[hbm4b:s13+s4] =	stream.linear.scatter [tilespmem:s20], [sflag:$0x1], $0x4000, $0x38;
	[tilespmem:$0x1C080] =	vst v63  }
0x68: {  	_ =	swait.ge [sflag:s21], $0x4000  }
0x69: {  	[sflag:s21] =	ssyncset.done $0x0  }
0x6a: {  	[sflag:s21] =	ssyncadd.s32 $0xFFFFC000  }
0x6b: {  	[tilespmem:s4], [sflag:$0x1] =	stream.linear.gather [hbm4b:s7+s4], $0x80, $0x38;
	[tilespmem:$0x1C080] =	vst v63  }
0x6c: {  	_ =	swait.ge [sflag:s21], $0x80  }
0x6d: {  	[sflag:s21] =	ssyncset.done $0x0  }
0x6e: {  	[sflag:s21] =	ssyncadd.s32 $0xFFFFFF80  }
0x6f: {  	[tilespmem:s20], [sflag:$0x1] =	stream.indirect.gather [spmem:s2], $0x80, s4, s22, $0xb8;
	[tilespmem:$0x1C080] =	vst v63  }
0x70: {  	_ =	swait.ge [sflag:s21], $0x4000  }
0x71: {  	[sflag:s21] =	ssyncset.done $0x0  }
0x72: {  	[sflag:s21] =	ssyncadd.s32 $0xFFFFC000  }
0x73: {  	[hbm4b:s14+s4] =	stream.linear.scatter [tilespmem:s20], [sflag:$0x1], $0x4000, $0x38;
	[tilespmem:$0x1C080] =	vst v63  }
0x74: {  	_ =	swait.ge [sflag:s21], $0x4000  }
0x75: {  	[sflag:s21] =	ssyncset.done $0x0  }
0x76: {  	[sflag:s21] =	ssyncadd.s32 $0xFFFFC000  }
0x77: {  	[tilespmem:s4], [sflag:$0x1] =	stream.linear.gather [hbm4b:s8+s4], $0x80, $0x38;
	[tilespmem:$0x1C080] =	vst v63  }
0x78: {  	_ =	swait.ge [sflag:s21], $0x80  }
0x79: {  	[sflag:s21] =	ssyncset.done $0x0  }
0x7a: {  	[sflag:s21] =	ssyncadd.s32 $0xFFFFFF80  }
0x7b: {  	[tilespmem:s20], [sflag:$0x1] =	stream.indirect.gather [spmem:s2], $0x80, s4, s22, $0xb8;
	[tilespmem:$0x1C080] =	vst v63  }
0x7c: {  	_ =	swait.ge [sflag:s21], $0x4000  }
0x7d: {  	[sflag:s21] =	ssyncset.done $0x0  }
0x7e: {  	[sflag:s21] =	ssyncadd.s32 $0xFFFFC000  }
0x7f: {  	[hbm4b:s15+s4] =	stream.linear.scatter [tilespmem:s20], [sflag:$0x1], $0x4000, $0x38;
	[tilespmem:$0x1C080] =	vst v63  }
0x80: {  	_ =	swait.ge [sflag:s21], $0x4000  }
0x81: {  	[sflag:s21] =	ssyncset.done $0x0  }
0x82: {  	[sflag:s21] =	ssyncadd.s32 $0xFFFFC000  }
0x83: {  	[tilespmem:s4], [sflag:$0x1] =	stream.linear.gather [hbm4b:s9+s4], $0x80, $0x38;
	[tilespmem:$0x1C080] =	vst v63  }
0x84: {  	_ =	swait.ge [sflag:s21], $0x80  }
0x85: {  	[sflag:s21] =	ssyncset.done $0x0  }
0x86: {  	[sflag:s21] =	ssyncadd.s32 $0xFFFFFF80  }
0x87: {  	[tilespmem:s20], [sflag:$0x1] =	stream.indirect.gather [spmem:s2], $0x80, s4, s22, $0xb8;
	[tilespmem:$0x1C080] =	vst v63  }
0x88: {  	_ =	swait.ge [sflag:s21], $0x4000  }
0x89: {  	[sflag:s21] =	ssyncset.done $0x0  }
0x8a: {  	[sflag:s21] =	ssyncadd.s32 $0xFFFFC000  }
0x8b: {  	[hbm4b:s16+s4] =	stream.linear.scatter [tilespmem:s20], [sflag:$0x1], $0x4000, $0x38;
	[tilespmem:$0x1C080] =	vst v63  }
0x8c: {  	_ =	swait.ge [sflag:s21], $0x4000  }
0x8d: {  	[sflag:s21] =	ssyncset.done $0x0  }
0x8e: {  	[sflag:s21] =	ssyncadd.s32 $0xFFFFC000  }
0x8f: {  	[tilespmem:s4], [sflag:$0x1] =	stream.linear.gather [hbm4b:s10+s4], $0x80, $0x38;
	[tilespmem:$0x1C080] =	vst v63  }
0x90: {  	_ =	swait.ge [sflag:s21], $0x80  }
0x91: {  	[sflag:s21] =	ssyncset.done $0x0  }
0x92: {  	[sflag:s21] =	ssyncadd.s32 $0xFFFFFF80  }
0x93: {  	[tilespmem:s20], [sflag:$0x1] =	stream.indirect.gather [spmem:s2], $0x80, s4, s22, $0xb8;
	[tilespmem:$0x1C080] =	vst v63  }
0x94: {  	s23 =	sadd.s32 $0x1, s23;
	_ =	swait.ge [sflag:s21], $0x4000  }
0x95: {  	p0 =	sne.s32 s23, s18;
	[sflag:s21] =	ssyncset.done $0x0  }
.Ltmp2:
0x96: {  	[sflag:s21] =	ssyncadd.s32 $0xFFFFC000;
	(pc) =	sbr.rel @p0 .LBB2_1-.Ltmp2, $4  }
0x97: {  	[hbm4b:s17+s4] =	stream.linear.scatter [tilespmem:s20], [sflag:$0x1], $0x4000, $0x38;
	[tilespmem:$0x1C080] =	vst v63  }
0x98: {  	_ =	swait.ge [sflag:s21], $0x4000  }
0x99: {  	[sflag:s21] =	ssyncset.done $0x0  }
0x9a: {  	[sflag:s21] =	ssyncadd.s32 $0xFFFFC000  }
0x9b: {  	_ =	sfence.sel $0x180000  }
0x9c: {  	[bflag:$0x0] =	sbarrier.arrive $0xFFFF  }
0x9d: {  	p0 =	sne.s32 s3, $0x0;
	_ =	strace $0x90000047  }
0x9e: {  	s0 =	sadd.s32 @!p0 $0x100000, s0;
	[bflag:$0x2] =	sbarrier.arrive $0xFFFF  }
0x9f: {  	[sflag:s0] =	ssyncadd.tile.s32 @!p0 $0x1;
	_ =	shalt  }
.Lfunc_end2:
_tile_overlayer_lowered:
.L_overlay_start_2:
0xa0: {  	(tag) =	ssettag $0x2  }
0xa1: {  	s0 =	rddreg [dreg:$0x0];
	s2 =	stileid.u32  }
0xa2: {  	s1 =	rddreg [dreg:$0x1];
	p0 =	sne.s32 s2, $0x0  }
0xa3: {  	s3 =	rddreg [dreg:$0x2];
	[bflag:$0x3] =	sbarrier.arrive $0xFFFF;
	s2 =	simm.s32 @!p0 $0x1C01  }
0xa4: {  	[timem:s3], [sflag:s2] =	dma.local @!p0 [hbm:s0], s1  }
0xa5: {  	s0 =	simm.s32 @!p0 $0x1  }
0xa6: {  	_ =	swait.ge @!p0 [sflag:s0], s1  }
0xa7: {  	s1 =	ssub.s32 @!p0 $0x0, s1;
	[sflag:s0] =	ssyncset.done @!p0 $0x0  }
0xa8: {  	[sflag:s0] =	ssyncadd.s32 @!p0 s1  }
0xa9: {  	[bflag:$0x3] =	sbarrier.arrive $0xFFFF  }
0xaa: {  	_ =	shalt  }

// kernel: kernel.9.cloned.1.call-start
scs
__scs_entry_jumppad:
0x0: {  	(pc) =	sbr.rel $0x88, $3  }
0x1: {  	(tag) =	ssettag $0x0;
	lr =	simm.s32 $0x1  }
0x2: {  	[smem:$0x3F9A] =	sst lr;
	_ =	strace $0xD0000000  }
0x3: {  	_ = 	snop  }
0x4: {  	_ = 	snop  }
0x5: {  	_ = 	snop  }
0x6: {  	_ = 	snop  }
0x7: {  	_ = 	snop  }
__scs_overlays_trampoline_lowered:
0x8: {  	[smem:$0x3FA9] =	sst s0  }
0x9: {  	[smem:$0x3FAA] =	sst s1  }
0xa: {  	[smem:$0x3FAB] =	sst s2  }
0xb: {  	[smem:$0x3FAC] =	sst s3  }
0xc: {  	[smem:$0x3FAD] =	sst s4  }
0xd: {  	[smem:$0x3FAE] =	sst s5  }
0xe: {  	[smem:$0x3FAF] =	sst s6  }
0xf: {  	[smem:$0x3FB0] =	sst s7  }
0x10: {  	[smem:$0x3FB1] =	sst s8  }
0x11: {  	[smem:$0x3FB2] =	sst s9;
	s0 =	simm.s32 @!p0 $0x0  }
0x12: {  	s1 =	sld [smem:$0x3F98];
	s0 =	simm.s32 @p0 $0x1  }
0x13: {  	[smem:$0x3FB3] =	sst s0;
	s0 =	simm.s32 @!p1 $0x0  }
0x14: {  	s2 =	sld [smem:$0x3F97];
	s0 =	simm.s32 @p1 $0x1  }
0x15: {  	[smem:$0x3FB4] =	sst s0;
	s0 =	simm.s32 @!p2 $0x0  }
0x16: {  	s3 =	sld [smem:$0x3FDB];
	s0 =	simm.s32 @p2 $0x1  }
0x17: {  	s4 =	simm.s32 $0x1BF5;
	[smem:$0x3FB6] =	sst s0  }
0x18: {  	s0 =	sld [smem:$0x3F99];
	_ =	swait.ge [sflag:s4], $0x0  }
0x19: {  	s7 =	sld [smem:$0x3F9A]  }
0x1a: {  	s8 =	sadd.s32 $0xFFFFE003, lr  }
0x1b: {  	s9 =	sadd.s32 $0xFFFFFEF7, lr;
	s5 =	simm.s32 $0xFFFFFFFF;
	p2 =	slt.u32 s8, $0xFFFFF086  }
0x1c: {  	p1 =	slt.u32 s9, $0xF7A;
	s5 =	simm.s32 @!p2 $0x0  }
0x1d: {  	s5 =	simm.s32 @p1 $0x1;
	p0 =	seq.s32 s7, s2  }
0x1e: {  	s7 =	smul.u32 @!p0 $0xF7A, s2;
	p2 =	seq.s32 @!p0 s5, $0x0  }
0x1f: {  	s9 =	smul.u32 $0xF7A, s1;
	s8 =	simm.s32 @!p0 $0x1BF5;
	p2 =	por !p2, p0  }
0x20: {  	[sflag:s8] =	ssyncset.s32 @!p0 $0xFFFFF086;
	s6 =	sadd.s32 @!p0 s3, s7;
	s7 =	simm.s32 @!p0 $0x108  }
0x21: {  	s3 =	sadd.s32 s3, s9;
	s6 =	sadd.s32 @!p0 $0x88, s6;
	s7 =	simm.s32 @p2 $0x1082  }
0x22: {  	[simem:s7], [sflag:s8] =	dma.local @!p0 [hbm:s6], $0xF7A  }
0x23: {  	s9 =	sor.u32 $0xD0000000, s2;
	s6 =	simm.s32 $0x108;
	_ =	swait.ge @!p0 [sflag:s8], $0x0  }
0x24: {  	s3 =	sadd.s32 $0x88, s3;
	s6 =	simm.s32 @!p1 $0x1082;
	[sflag:s4] =	ssyncset.s32 $0xFFFFF086  }
0x25: {  	[simem:s6], [sflag:s4] =	dma.local [hbm:s3], $0xF7A  }
0x26: {  	[smem:$0x3F9A] =	sst s1;
	(tag) =	ssettag s2;
	_ =	strace s9  }
0x27: {  	s1 =	sld [smem:$0x3FAA]  }
0x28: {  	s2 =	sld [smem:$0x3FAB]  }
0x29: {  	s4 =	sld [smem:$0x3FAD]  }
0x2a: {  	p0 =	seq.s32 s5, $0x0;
	s5 =	sld [smem:$0x3FAE]  }
0x2b: {  	s6 =	sld [smem:$0x3FAF]  }
0x2c: {  	s7 =	sld [smem:$0x3FB0]  }
0x2d: {  	s3 =	simm.s32 $0x108;
	s8 =	sld [smem:$0x3FB1]  }
0x2e: {  	s3 =	simm.s32 @!p0 $0x1082;
	s9 =	sld [smem:$0x3FB2]  }
0x2f: {  	lr =	sadd.s32 s0, s3;
	s0 =	sld [smem:$0x3FA9]  }
0x30: {  	s3 =	sld [smem:$0x3FAC]  }
0x31: {  	[smem:$0x3FB5] =	sst s10  }
0x32: {  	s10 =	sld [smem:$0x3FB3];
	_ =	sdelay $0x3  }
0x33: {  	p0 =	seq.s32 s10, $0x1;
	s10 =	sld [smem:$0x3FB5];
	_ =	sdelay $0x3  }
0x34: {  	[smem:$0x3FB5] =	sst s10  }
0x35: {  	s10 =	sld [smem:$0x3FB4];
	_ =	sdelay $0x3  }
0x36: {  	p1 =	seq.s32 s10, $0x1;
	s10 =	sld [smem:$0x3FB5];
	_ =	sdelay $0x3  }
0x37: {  	[smem:$0x3FB5] =	sst s10  }
0x38: {  	s10 =	sld [smem:$0x3FB6]  }
0x39: {  	_ = 	snop;
	(pc) =	sbr.ind lr, $3  }
0x3a: {  	_ = 	snop  }
0x3b: {  	_ = 	snop  }
0x3c: {  	p2 =	seq.s32 s10, $0x1;
	s10 =	sld [smem:$0x3FB5]  }
0x3d: {  	_ =	shalt  }
0x3e: {  	_ =	shalt  }
0x3f: {  	_ =	shalt  }
0x40: {  	_ =	shalt  }
0x41: {  	_ =	shalt  }
0x42: {  	_ =	shalt  }
0x43: {  	_ =	shalt  }
0x44: {  	_ =	shalt  }
0x45: {  	_ =	shalt  }
0x46: {  	_ =	shalt  }
0x47: {  	_ =	shalt  }
0x48: {  	_ =	shalt  }
0x49: {  	_ =	shalt  }
0x4a: {  	_ =	shalt  }
0x4b: {  	_ =	shalt  }
0x4c: {  	_ =	shalt  }
0x4d: {  	_ =	shalt  }
0x4e: {  	_ =	shalt  }
0x4f: {  	_ =	shalt  }
0x50: {  	_ =	shalt  }
0x51: {  	_ =	shalt  }
0x52: {  	_ =	shalt  }
0x53: {  	_ =	shalt  }
0x54: {  	_ =	shalt  }
0x55: {  	_ =	shalt  }
0x56: {  	_ =	shalt  }
0x57: {  	_ =	shalt  }
0x58: {  	_ =	shalt  }
0x59: {  	_ =	shalt  }
0x5a: {  	_ =	shalt  }
0x5b: {  	_ =	shalt  }
0x5c: {  	_ =	shalt  }
0x5d: {  	_ =	shalt  }
0x5e: {  	_ =	shalt  }
0x5f: {  	_ =	shalt  }
0x60: {  	_ =	shalt  }
0x61: {  	_ =	shalt  }
0x62: {  	_ =	shalt  }
0x63: {  	_ =	shalt  }
0x64: {  	_ =	shalt  }
0x65: {  	_ =	shalt  }
0x66: {  	_ =	shalt  }
0x67: {  	_ =	shalt  }
0x68: {  	_ =	shalt  }
0x69: {  	_ =	shalt  }
0x6a: {  	_ =	shalt  }
0x6b: {  	_ =	shalt  }
0x6c: {  	_ =	shalt  }
0x6d: {  	_ =	shalt  }
0x6e: {  	_ =	shalt  }
0x6f: {  	_ =	shalt  }
0x70: {  	_ =	shalt  }
0x71: {  	_ =	shalt  }
0x72: {  	_ =	shalt  }
0x73: {  	_ =	shalt  }
0x74: {  	_ =	shalt  }
0x75: {  	_ =	shalt  }
0x76: {  	_ =	shalt  }
0x77: {  	_ =	shalt  }
0x78: {  	_ =	shalt  }
0x79: {  	_ =	shalt  }
0x7a: {  	_ =	shalt  }
0x7b: {  	_ =	shalt  }
0x7c: {  	_ =	shalt  }
0x7d: {  	_ =	shalt  }
0x7e: {  	_ =	shalt  }
0x7f: {  	_ =	shalt  }
0x80: {  	_ =	shalt  }
0x81: {  	_ =	shalt  }
0x82: {  	_ =	shalt  }
0x83: {  	_ =	shalt  }
0x84: {  	_ =	shalt  }
0x85: {  	_ =	shalt  }
0x86: {  	_ =	shalt  }
0x87: {  	_ =	shalt  }
.Lfunc_end0:
.L_simem_size_0:
called_computation.1_lowered:
.L_overlay_start_0:
0x88: {  	s2 =	sld [smem:$0x3FD9]  }
0x89: {  	s3 =	sld [smem:$0x3FFE];
	_ =	sdelay $0x1  }
0x8a: {  	s1 =	srdreg.scid  }
0x8b: {  	s0 =	sand.u32 $0x1, s1  }
0x8c: {  	s17 =	sshll.u32 s0, $0xA;
	s2 =	sadd.s32 s3, s2  }
0x8d: {  	s2 =	sadd.s32 s2, s17  }
0x8e: {  	[smem:$0x3FC1] =	sst s2  }
0x8f: {  	_ = 	snop  }
0x90: {  	s2 =	sld [smem:$0x3FC8]  }
0x91: {  	s18 =	sld [smem:$0x3FD0];
	(tm) =	ssettm $0x1  }
0x92: {  	s4 =	sld [smem:$0x3FFB];
	_ =	sdelay $0x3  }
0x93: {  	_ =	strace s4  }
0x94: {  	s4 =	sld [smem:$0x3FFC];
	_ =	sdelay $0x3  }
0x95: {  	_ =	strace s4  }
0x96: {  	s4 =	sld [smem:$0x3FFD];
	_ =	sdelay $0x3  }
0x97: {  	_ =	strace s4  }
0x98: {  	_ =	strace $0x8FFFFFFF  }
0x99: {  	s19 =	sld [smem:$0x3FDB];
	_ =	sdelay $0x1  }
0x9a: {  	s5 =	simm.s32 $_scs_section_size  }
0x9b: {  	s6 =	simm.s32 $_size__tile_overlayer_lowered;
	s7 =	simm.s32 $_tile_overlayer_lowered  }
0x9c: {  	s22 =	simm.s32 $0x1BFF;
	s21 =	sshll.u32 s7, $0x1;
	s4 =	sadd.s32 s5, s19  }
0x9d: {  	s8 =	simm.s32 $0x0;
	s20 =	sshll.u32 s6, $0x1;
	s6 =	sadd.s32 s21, s4  }
0x9e: {  	[timem:s8], [sflag:s22] =	dma.local [hbm:s6], s20  }
0x9f: {  	_ =	swait.ge [sflag:s22], s20  }
0xa0: {  	s5 =	ssub.s32 $0x0, s20;
	[sflag:s22] =	ssyncset.done $0x0  }
0xa1: {  	[sflag:s22] =	ssyncadd.s32 s5;
	_ =	sdelay $0x1  }
0xa2: {  	s23 =	simm.s32 $0x1B8B  }
0xa3: {  	_ =	swait.ge [sflag:s23], $0x1  }
0xa4: {  	[sflag:s23] =	ssyncset.done $0x0  }
0xa5: {  	s25 =	simm.s32 $0x1B8E;
	s24 =	sld [smem:$0x3FFE];
	[sflag:s23] =	ssyncadd.s32 $0xFFFFFFFF  }
0xa6: {  	s26 =	simm.s32 $execute0_lowered;
	[smem:$0x3FD2] =	sst s25  }
0xa7: {  	s6 =	sshll.u32 s26, $0x1;
	_ =	strace $0x80000049;
	[dreg:$0x1] =	wrdreg $0xFFFFFFFF  }
0xa8: {  	s28 =	simm.s32 $_size_execute0_lowered;
	s4 =	sadd.s32 s4, s6;
	[dreg:$0x0] =	wrdreg $0x0  }
0xa9: {  	s6 =	sshll.u32 s28, $0x1;
	[dreg:$0x2] =	wrdreg s4  }
0xaa: {  	[dreg:$0x3] =	wrdreg s6  }
0xab: {  	[dreg:$0x4] =	wrdreg $0xC0  }
0xac: {  	_ =	task [dreg:s8], $0x5FFFF  }
0xad: {  	[dreg:$0x1] =	wrdreg $0xFFFFFFFF  }
0xae: {  	[dreg:$0x0] =	wrdreg $0x60  }
0xaf: {  	[dreg:$0x2] =	wrdreg s18  }
0xb0: {  	[dreg:$0x3] =	wrdreg s2  }
0xb1: {  	[dreg:$0x4] =	wrdreg s24  }
0xb2: {  	[dreg:$0x5] =	wrdreg $0x82000  }
0xb3: {  	[dreg:$0x6] =	wrdreg $0x9  }
0xb4: {  	_ =	task.clear_ibuf [dreg:s8], $0x7FFFF;
	_ =	strace $0x90000049  }
0xb5: {  	s29 =	simm.s32 $0x9;
	_ =	strace $0x8000004B  }
0xb6: {  	_ =	swait.ge [sflag:s29], $0x1  }
0xb7: {  	[sflag:s29] =	ssyncadd.s32 $0xFFFFFFFF  }
0xb8: {  	_ =	strace $0x9000004B  }
0xb9: {  	_ =	sfence  }
0xba: {  	s30 =	sld [smem:$0x0];
	_ =	sdelay $0x2  }
0xbb: {  	s31 =	sshll.u32 s1, $0xD;
	s1 =	sshrl.u32 s1, $0x2  }
0xbc: {  	s3 =	sand.u32 $0x4000, s31;
	s1 =	sadd.s32 s1, s30  }
0xbd: {  	s0 =	sor.u32 s3, s0;
	s1 =	sshll.u32 s1, $0x11  }
0xbe: {  	s0 =	sor.u32 s1, s0  }
0xbf: {  	s0 =	sadd.s32 $0x8F2B, s0  }
0xc0: {  	[sflag:s0] =	ssyncadd.remote.s32 $0x1  }
0xc1: {  	_ =	sfence.sel $0xFFFF  }
0xc2: {  	[dreg:$0x0] =	wrdreg $0xFFFFFFFF;
	(pc) =	sbr.abs _section_cstart, $3  }
0xc3: {  	[dreg:$0x1] =	wrdreg $0xFFFFFFFF  }
0xc4: {  	_ =	task.clear_ibuf [dreg:s8], $0x2FFFF;
	_ =	strace $0x9FFFFFFF  }
0xc5: {  	(tm) =	ssettm $0x7FFFFFFF  }
tec
execute0_lowered:
.L_overlay_start_1:
0x0: {  	(tag) =	ssettag $0x1  }
0x1: {  	s1 =	rddreg [dreg:$0x0]  }
0x2: {  	s19 =	rddreg [dreg:$0x1]  }
0x3: {  	s0 =	rddreg [dreg:$0x2]  }
0x4: {  	s2 =	rddreg [dreg:$0x3]  }
0x5: {  	s3 =	simm.s32 $0x0;
	s4 =	srdreg.scid;
	s12 =	simm.s32 $0x4F  }
0x6: {  	s28 =	simm.s32 $0x2;
	s29 =	simm.s32 $0x0;
	[smem:$0x7FF] =	sst s3  }
0x7: {  	s5 =	sadd.s32 $0x2800, s0;
	s16 =	sand.u32 $0x1, s4;
	s4 =	stileid.u32  }
0x8: {  	s10 =	sadd.s32 $0x2200, s0;
	s0 =	sadd.s32 $0x53000, s0;
	s9 =	smul.u32 $0x280, s4  }
0x9: {  	_ =	strace $0x8000004A;
	s6 =	ssub.s32 $0x2, s16;
	s22 =	smul.u32 $0x140000, s16  }
0xa: {  	s8 =	sshll.u32 s16, $0x4;
	s16 =	smul.u32 $0x4E0, s16;
	s7 =	sshrl.u32 s6, $0x1  }
0xb: {  	s25 =	sor.u32 s4, s8;
	s18 =	ssub.s32 s6, s7;
	s24 =	sshrl.u32 s9, $0x3  }
0xc: {  	s13 =	sadd.s32 $0x80, s9;
	s14 =	sadd.s32 $0x100, s9;
	s11 =	smul.u32 $0x4E, s25  }
0xd: {  	s17 =	smin.u32 s25, $0x4;
	p0 =	slt.u32 s25, $0x4;
	s20 =	sadd.s32 $0x180, s9  }
0xe: {  	s21 =	sadd.s32 $0x200, s9;
	s6 =	sadd.s32 s10, s24;
	s26 =	sshrl.u32 s13, $0x3  }
0xf: {  	s30 =	sshrl.u32 s14, $0x3;
	s12 =	simm.s32 @!p0 $0x4E;
	s15 =	sshrl.u32 s20, $0x3  }
0x10: {  	s31 =	sshrl.u32 s21, $0x3;
	s24 =	smul.u32 $0x14000, s4;
	s13 =	sshll.u32 s13, $0x7  }
0x11: {  	s14 =	sshll.u32 s14, $0x7;
	s20 =	sshll.u32 s20, $0x7;
	s21 =	sshll.u32 s21, $0x7  }
0x12: {  	s4 =	smul.u32 $0x4E, s4;
	s16 =	sor.u32 s16, s17;
	s18 =	smax.u32 s18, $0x1  }
0x13: {  	p0 =	sgt.u32 s25, $0x3;
	s25 =	simm.s32 $0x4200;
	s7 =	sadd.s32 s10, s26  }
0x14: {  	s8 =	sadd.s32 s10, s30;
	s11 =	sadd.s32 s17, s11;
	s9 =	sadd.s32 s10, s15  }
0x15: {  	s10 =	sadd.s32 s10, s31;
	s26 =	sadd.s32 s22, s13;
	s14 =	sadd.s32 s22, s14  }
0x16: {  	s20 =	sadd.s32 s22, s20;
	s21 =	sadd.s32 s22, s21;
	s11 =	sadd.s32 s12, s11  }
0x17: {  	s24 =	sadd.s32 s24, s22;
	s30 =	sshrl.u32 s26, $0x3;
	s31 =	sshrl.u32 s14, $0x3  }
0x18: {  	s26 =	sshrl.u32 s21, $0x3;
	s21 =	simm.s32 $0x3;
	s22 =	simm.s32 $0x80  }
0x19: {  	s11 =	sshll.u32 s11, $0x8;
	s14 =	sadd.s32 s0, s30;
	s30 =	sadd.s32 s4, s16  }
0x1a: {  	s17 =	sadd.s32 s0, s26;
	s23 =	sadd.s32 $0xFFFFFF00, s11;
	s11 =	sadd.s32 $0xFFFFFF80, s11  }
0x1b: {  	s26 =	simm.s32 $0x1;
	s15 =	sshrl.u32 s23, $0x3;
	s23 =	sshrl.u32 s11, $0x3  }
0x1c: {  	s11 =	sadd.s32 s19, s15;
	s12 =	sadd.s32 s19, s23;
	s15 =	sshrl.u32 s24, $0x3  }
0x1d: {  	s24 =	sshrl.u32 s20, $0x3;
	s20 =	simm.s32 $0x200;
	s23 =	simm.s32 $0x100  }
0x1e: {  	s13 =	sadd.s32 s0, s15;
	s15 =	sadd.s32 s0, s31;
	s31 =	sshll.u32 s30, $0x5  }
0x1f: {  	s16 =	sadd.s32 s0, s24;
	s24 =	simm.s32 $0x180;
	s19 =	sadd.s32 s31, s19  }
.LBB2_1:
0x20: {  	[tilespmem:s20], [sflag:$0x3] =	stream.linear.gather [hbm4b:s5+s3], $0x4000, $0x38;
	[tilespmem:$0x1C200] =	vst v63  }
0x21: {  	_ =	swait.ge [sflag:s21], $0x4000  }
0x22: {  	[sflag:s21] =	ssyncset.done $0x0  }
0x23: {  	[sflag:s21] =	ssyncadd.s32 $0xFFFFC000  }
0x24: {  	[tilespmem:s22], [sflag:$0x3] =	stream.linear.gather [hbm4b:s6+s3], $0x80, $0x38;
	[tilespmem:$0x1C200] =	vst v63  }
0x25: {  	_ =	swait.ge [sflag:s21], $0x80  }
0x26: {  	[sflag:s21] =	ssyncset.done $0x0  }
0x27: {  	[sflag:s21] =	ssyncadd.s32 $0xFFFFFF80  }
0x28: {  	[spmem:s2] =	stream.indirect.scatter [tilespmem:s20], [sflag:$0x3], $0x80, s22, s22, $0xb8;
	[tilespmem:$0x1C200] =	vst v63  }
0x29: {  	_ =	swait.ge [sflag:s21], $0x4000  }
0x2a: {  	[sflag:s21] =	ssyncset.done $0x0  }
0x2b: {  	[sflag:s21] =	ssyncadd.s32 $0xFFFFC000  }
0x2c: {  	[tilespmem:s22], [sflag:$0x3] =	stream.linear.gather [hbm4b:s7+s3], $0x80, $0x38;
	[tilespmem:$0x1C200] =	vst v63  }
0x2d: {  	_ =	swait.ge [sflag:s21], $0x80  }
0x2e: {  	[sflag:s21] =	ssyncset.done $0x0  }
0x2f: {  	[sflag:s21] =	ssyncadd.s32 $0xFFFFFF80  }
0x30: {  	[spmem:s2] =	stream.indirect.scatter [tilespmem:s20], [sflag:$0x3], $0x80, s22, s22, $0xb8;
	[tilespmem:$0x1C200] =	vst v63  }
0x31: {  	_ =	swait.ge [sflag:s21], $0x4000  }
0x32: {  	[sflag:s21] =	ssyncset.done $0x0  }
0x33: {  	[sflag:s21] =	ssyncadd.s32 $0xFFFFC000  }
0x34: {  	[tilespmem:s22], [sflag:$0x3] =	stream.linear.gather [hbm4b:s8+s3], $0x80, $0x38;
	[tilespmem:$0x1C200] =	vst v63  }
0x35: {  	_ =	swait.ge [sflag:s21], $0x80  }
0x36: {  	[sflag:s21] =	ssyncset.done $0x0  }
0x37: {  	[sflag:s21] =	ssyncadd.s32 $0xFFFFFF80  }
0x38: {  	[spmem:s2] =	stream.indirect.scatter [tilespmem:s20], [sflag:$0x3], $0x80, s22, s22, $0xb8;
	[tilespmem:$0x1C200] =	vst v63  }
0x39: {  	_ =	swait.ge [sflag:s21], $0x4000  }
0x3a: {  	[sflag:s21] =	ssyncset.done $0x0  }
0x3b: {  	[sflag:s21] =	ssyncadd.s32 $0xFFFFC000  }
0x3c: {  	[tilespmem:s22], [sflag:$0x3] =	stream.linear.gather [hbm4b:s9+s3], $0x80, $0x38;
	[tilespmem:$0x1C200] =	vst v63  }
0x3d: {  	_ =	swait.ge [sflag:s21], $0x80  }
0x3e: {  	[sflag:s21] =	ssyncset.done $0x0  }
0x3f: {  	[sflag:s21] =	ssyncadd.s32 $0xFFFFFF80  }
0x40: {  	[spmem:s2] =	stream.indirect.scatter [tilespmem:s20], [sflag:$0x3], $0x80, s22, s22, $0xb8;
	[tilespmem:$0x1C200] =	vst v63  }
0x41: {  	_ =	swait.ge [sflag:s21], $0x4000  }
0x42: {  	[sflag:s21] =	ssyncset.done $0x0  }
0x43: {  	[sflag:s21] =	ssyncadd.s32 $0xFFFFC000  }
0x44: {  	[tilespmem:s22], [sflag:$0x3] =	stream.linear.gather [hbm4b:s10+s3], $0x80, $0x38;
	[tilespmem:$0x1C200] =	vst v63  }
0x45: {  	_ =	swait.ge [sflag:s21], $0x80  }
0x46: {  	[sflag:s21] =	ssyncset.done $0x0  }
0x47: {  	[sflag:s21] =	ssyncadd.s32 $0xFFFFFF80  }
0x48: {  	[spmem:s2] =	stream.indirect.scatter [tilespmem:s20], [sflag:$0x3], $0x80, s22, s22, $0xb8;
	[tilespmem:$0x1C200] =	vst v63  }
0x49: {  	_ =	swait.ge [sflag:s21], $0x4000  }
0x4a: {  	[sflag:s21] =	ssyncset.done $0x0  }
0x4b: {  	[sflag:s21] =	ssyncadd.s32 $0xFFFFC000  }
0x4c: {  	s0 =	sadd.s32 $0x0, s19;
	[bflag:$0x0] =	sbarrier.arrive $0xFFFF  }
0x4d: {  	[tilespmem:s3], [sflag:$0x3] =	stream.linear.gather [hbm4b:s0+s3], $0x80, $0x38;
	[tilespmem:$0x1C200] =	vst v63  }
0x4e: {  	_ =	swait.ge [sflag:s21], $0x80  }
0x4f: {  	[sflag:s21] =	ssyncset.done $0x0  }
0x50: {  	s30 =	sadd.s32 $0x10, s0;
	[sflag:s21] =	ssyncadd.s32 $0xFFFFFF80  }
0x51: {  	[tilespmem:s22], [sflag:$0x3] =	stream.linear.gather [hbm4b:s30+s3], $0x80, $0x38;
	[tilespmem:$0x1C200] =	vst v63  }
0x52: {  	_ =	swait.ge [sflag:s21], $0x80  }
0x53: {  	[sflag:s21] =	ssyncset.done $0x0  }
0x54: {  	[sflag:s21] =	ssyncadd.s32 $0xFFFFFF80  }
0x55: {  	[tilespmem:s20], [sflag:$0x1] =	stream.indirect.gather [hbm4b:s1+s22], $0x80, s3, s22, $0xb8;
	[tilespmem:$0x1C200] =	vst v63  }
0x56: {  	s30 =	sadd.s32 $0x20, s0  }
0x57: {  	[tilespmem:s23], [sflag:$0x3] =	stream.linear.gather [hbm4b:s30+s3], $0x80, $0x38;
	[tilespmem:$0x1C200] =	vst v63  }
0x58: {  	_ =	swait.ge [sflag:s21], $0x80  }
0x59: {  	[sflag:s21] =	ssyncset.done $0x0  }
0x5a: {  	s0 =	sadd.s32 $0x30, s0;
	[sflag:s21] =	ssyncadd.s32 $0xFFFFFF80  }
0x5b: {  	[tilespmem:s24], [sflag:$0x3] =	stream.linear.gather [hbm4b:s0+s3], $0x80, $0x38;
	[tilespmem:$0x1C200] =	vst v63  }
0x5c: {  	_ =	swait.ge [sflag:s21], $0x80  }
0x5d: {  	[sflag:s21] =	ssyncset.done $0x0  }
0x5e: {  	[sflag:s21] =	ssyncadd.s32 $0xFFFFFF80  }
0x5f: {  	[tilespmem:s25], [sflag:$0x2] =	stream.indirect.gather [hbm4b:s1+s22], $0x80, s23, s22, $0xb8;
	[tilespmem:$0x1C200] =	vst v63  }
0x60: {  	_ =	swait.ge [sflag:s26], $0x4000  }
0x61: {  	[sflag:s26] =	ssyncset.done $0x0  }
0x62: {  	[sflag:s26] =	ssyncadd.s32 $0xFFFFC000  }
0x63: {  	[spmem:s2] =	stream.indirect.scatter.add.f32 [tilespmem:s20], [sflag:$0x3], $0x80, s22, s22, $0xb8;
	[tilespmem:$0x1C200] =	vst v63  }
0x64: {  	_ =	swait.ge [sflag:s21], $0x4000  }
0x65: {  	[sflag:s21] =	ssyncset.done $0x0  }
0x66: {  	[sflag:s21] =	ssyncadd.s32 $0xFFFFC000  }
0x67: {  	_ =	swait.ge [sflag:s28], $0x4000  }
0x68: {  	[sflag:s28] =	ssyncset.done $0x0  }
0x69: {  	[sflag:s28] =	ssyncadd.s32 $0xFFFFC000  }
0x6a: {  	[spmem:s2] =	stream.indirect.scatter.add.f32 [tilespmem:s25], [sflag:$0x3], $0x80, s24, s22, $0xb8;
	[tilespmem:$0x1C200] =	vst v63  }
0x6b: {  	_ =	swait.ge [sflag:s21], $0x4000  }
0x6c: {  	s31 =	simm.s32 $0x80;
	s30 =	simm.s32 $0x40;
	[sflag:s21] =	ssyncset.done $0x0  }
.LBB2_2:
0x6d: {  	s4 =	sadd.s32 s30, s19  }
0x6e: {  	[sflag:s21] =	ssyncadd.s32 $0xFFFFC000;
	s30 =	smov.u32 s31;
	s0 =	sadd.s32 $0x40, s31  }
0x6f: {  	[tilespmem:s3], [sflag:$0x3] =	stream.linear.gather [hbm4b:s4+s3], $0x80, $0x38;
	[tilespmem:$0x1C200] =	vst v63  }
0x70: {  	p1 =	sne.s32 s31, $0x980;
	_ =	swait.ge [sflag:s21], $0x80  }
0x71: {  	[sflag:s21] =	ssyncset.done $0x0  }
0x72: {  	s31 =	sadd.s32 $0x10, s4;
	[sflag:s21] =	ssyncadd.s32 $0xFFFFFF80  }
0x73: {  	[tilespmem:s22], [sflag:$0x3] =	stream.linear.gather [hbm4b:s31+s3], $0x80, $0x38;
	[tilespmem:$0x1C200] =	vst v63  }
0x74: {  	_ =	swait.ge [sflag:s21], $0x80  }
0x75: {  	[sflag:s21] =	ssyncset.done $0x0  }
0x76: {  	[sflag:s21] =	ssyncadd.s32 $0xFFFFFF80  }
0x77: {  	[tilespmem:s20], [sflag:$0x1] =	stream.indirect.gather [hbm4b:s1+s22], $0x80, s3, s22, $0xb8;
	[tilespmem:$0x1C200] =	vst v63  }
0x78: {  	s31 =	sadd.s32 $0x20, s4  }
0x79: {  	[tilespmem:s23], [sflag:$0x3] =	stream.linear.gather [hbm4b:s31+s3], $0x80, $0x38;
	[tilespmem:$0x1C200] =	vst v63  }
0x7a: {  	_ =	swait.ge [sflag:s21], $0x80  }
0x7b: {  	[sflag:s21] =	ssyncset.done $0x0  }
0x7c: {  	s4 =	sadd.s32 $0x30, s4;
	[sflag:s21] =	ssyncadd.s32 $0xFFFFFF80  }
0x7d: {  	[tilespmem:s24], [sflag:$0x3] =	stream.linear.gather [hbm4b:s4+s3], $0x80, $0x38;
	[tilespmem:$0x1C200] =	vst v63  }
0x7e: {  	_ =	swait.ge [sflag:s21], $0x80  }
0x7f: {  	[sflag:s21] =	ssyncset.done $0x0  }
0x80: {  	[sflag:s21] =	ssyncadd.s32 $0xFFFFFF80  }
0x81: {  	[tilespmem:s25], [sflag:$0x2] =	stream.indirect.gather [hbm4b:s1+s22], $0x80, s23, s22, $0xb8;
	[tilespmem:$0x1C200] =	vst v63  }
0x82: {  	_ =	swait.ge [sflag:s26], $0x4000  }
0x83: {  	[sflag:s26] =	ssyncset.done $0x0  }
0x84: {  	[sflag:s26] =	ssyncadd.s32 $0xFFFFC000  }
0x85: {  	[spmem:s2] =	stream.indirect.scatter.add.f32 [tilespmem:s20], [sflag:$0x3], $0x80, s22, s22, $0xb8;
	[tilespmem:$0x1C200] =	vst v63  }
0x86: {  	_ =	swait.ge [sflag:s21], $0x4000  }
0x87: {  	[sflag:s21] =	ssyncset.done $0x0  }
0x88: {  	[sflag:s21] =	ssyncadd.s32 $0xFFFFC000  }
0x89: {  	_ =	swait.ge [sflag:s28], $0x4000  }
.Ltmp0:
0x8a: {  	[sflag:s28] =	ssyncset.done $0x0;
	(pc) =	sbr.rel @p1 .LBB2_2-.Ltmp0, $4  }
0x8b: {  	[sflag:s28] =	ssyncadd.s32 $0xFFFFC000  }
0x8c: {  	[spmem:s2] =	stream.indirect.scatter.add.f32 [tilespmem:s25], [sflag:$0x3], $0x80, s24, s22, $0xb8;
	[tilespmem:$0x1C200] =	vst v63  }
0x8d: {  	_ =	swait.ge [sflag:s21], $0x4000  }
0x8e: {  	s31 =	smov.u32 s0;
	[sflag:s21] =	ssyncset.done $0x0  }
0x8f: {  	s0 =	sadd.s32 s30, s19;
	[sflag:s21] =	ssyncadd.s32 $0xFFFFC000  }
0x90: {  	[tilespmem:s3], [sflag:$0x3] =	stream.linear.gather [hbm4b:s0+s3], $0x80, $0x38;
	[tilespmem:$0x1C200] =	vst v63  }
0x91: {  	_ =	swait.ge [sflag:s21], $0x80  }
0x92: {  	[sflag:s21] =	ssyncset.done $0x0  }
0x93: {  	s4 =	sadd.s32 $0x10, s0;
	[sflag:s21] =	ssyncadd.s32 $0xFFFFFF80  }
0x94: {  	[tilespmem:s22], [sflag:$0x3] =	stream.linear.gather [hbm4b:s4+s3], $0x80, $0x38;
	[tilespmem:$0x1C200] =	vst v63  }
0x95: {  	_ =	swait.ge [sflag:s21], $0x80  }
0x96: {  	[sflag:s21] =	ssyncset.done $0x0  }
0x97: {  	[sflag:s21] =	ssyncadd.s32 $0xFFFFFF80  }
0x98: {  	[tilespmem:s20], [sflag:$0x1] =	stream.indirect.gather [hbm4b:s1+s22], $0x80, s3, s22, $0xb8;
	[tilespmem:$0x1C200] =	vst v63  }
0x99: {  	s31 =	sadd.s32 $0x20, s0  }
0x9a: {  	[tilespmem:s23], [sflag:$0x3] =	stream.linear.gather [hbm4b:s31+s3], $0x80, $0x38;
	[tilespmem:$0x1C200] =	vst v63  }
0x9b: {  	_ =	swait.ge [sflag:s21], $0x80  }
0x9c: {  	[sflag:s21] =	ssyncset.done $0x0  }
0x9d: {  	s0 =	sadd.s32 $0x30, s0;
	[sflag:s21] =	ssyncadd.s32 $0xFFFFFF80  }
0x9e: {  	[tilespmem:s24], [sflag:$0x3] =	stream.linear.gather [hbm4b:s0+s3], $0x80, $0x38;
	[tilespmem:$0x1C200] =	vst v63  }
0x9f: {  	_ =	swait.ge [sflag:s21], $0x80  }
0xa0: {  	[sflag:s21] =	ssyncset.done $0x0  }
0xa1: {  	[sflag:s21] =	ssyncadd.s32 $0xFFFFFF80  }
0xa2: {  	[tilespmem:s25], [sflag:$0x2] =	stream.indirect.gather [hbm4b:s1+s22], $0x80, s23, s22, $0xb8;
	[tilespmem:$0x1C200] =	vst v63  }
0xa3: {  	_ =	swait.ge [sflag:s26], $0x4000  }
0xa4: {  	[sflag:s26] =	ssyncset.done $0x0  }
0xa5: {  	[sflag:s26] =	ssyncadd.s32 $0xFFFFC000  }
0xa6: {  	[spmem:s2] =	stream.indirect.scatter.add.f32 [tilespmem:s20], [sflag:$0x3], $0x80, s22, s22, $0xb8;
	[tilespmem:$0x1C200] =	vst v63  }
0xa7: {  	_ =	swait.ge [sflag:s21], $0x4000  }
0xa8: {  	[sflag:s21] =	ssyncset.done $0x0  }
0xa9: {  	[sflag:s21] =	ssyncadd.s32 $0xFFFFC000  }
0xaa: {  	_ =	swait.ge [sflag:s28], $0x4000  }
0xab: {  	[sflag:s28] =	ssyncset.done $0x0  }
0xac: {  	[sflag:s28] =	ssyncadd.s32 $0xFFFFC000  }
0xad: {  	[spmem:s2] =	stream.indirect.scatter.add.f32 [tilespmem:s25], [sflag:$0x3], $0x80, s24, s22, $0xb8;
	[tilespmem:$0x1C200] =	vst v63  }
0xae: {  	_ =	swait.ge [sflag:s21], $0x4000  }
0xaf: {  	[sflag:s21] =	ssyncset.done $0x0  }
0xb0: {  	s4 =	simm.s32 @!p0 $0x3;
	s0 =	simm.s32 @!p0 $0x0;
	[sflag:s21] =	ssyncadd.s32 $0xFFFFC000  }
0xb1: {  	[tilespmem:s0], [sflag:$0x3] =	stream.linear.gather @!p0 [hbm4b:s11+s0], $0x80, $0x38;
	[tilespmem:$0x1C200] =	vst v63  }
0xb2: {  	_ =	swait.ge @!p0 [sflag:s4], $0x80  }
0xb3: {  	[sflag:s4] =	ssyncset.done @!p0 $0x0  }
0xb4: {  	s30 =	simm.s32 @!p0 $0x80;
	[sflag:s4] =	ssyncadd.s32 @!p0 $0xFFFFFF80  }
0xb5: {  	[tilespmem:s30], [sflag:$0x3] =	stream.linear.gather @!p0 [hbm4b:s12+s0], $0x80, $0x38;
	[tilespmem:$0x1C200] =	vst v63  }
0xb6: {  	_ =	swait.ge @!p0 [sflag:s4], $0x80  }
0xb7: {  	[sflag:s4] =	ssyncset.done @!p0 $0x0  }
0xb8: {  	s31 =	simm.s32 @!p0 $0x200;
	[sflag:s4] =	ssyncadd.s32 @!p0 $0xFFFFFF80  }
0xb9: {  	[tilespmem:s31], [sflag:$0x1] =	stream.indirect.gather @!p0 [hbm4b:s1+s30], $0x80, s0, s30, $0xb8;
	[tilespmem:$0x1C200] =	vst v63  }
0xba: {  	s0 =	simm.s32 @!p0 $0x1  }
0xbb: {  	_ =	swait.ge @!p0 [sflag:s0], $0x4000  }
0xbc: {  	[sflag:s0] =	ssyncset.done @!p0 $0x0  }
0xbd: {  	[sflag:s0] =	ssyncadd.s32 @!p0 $0xFFFFC000  }
0xbe: {  	[spmem:s2] =	stream.indirect.scatter.add.f32 @!p0 [tilespmem:s31], [sflag:$0x3], $0x80, s30, s30, $0xb8;
	[tilespmem:$0x1C200] =	vst v63  }
0xbf: {  	_ =	swait.ge @!p0 [sflag:s4], $0x4000  }
0xc0: {  	[sflag:s4] =	ssyncset.done @!p0 $0x0  }
0xc1: {  	[sflag:s4] =	ssyncadd.s32 @!p0 $0xFFFFC000  }
0xc2: {  	[bflag:$0x0] =	sbarrier.arrive $0xFFFF  }
0xc3: {  	[tilespmem:s22], [sflag:$0x3] =	stream.linear.gather [hbm4b:s6+s3], $0x80, $0x38;
	[tilespmem:$0x1C200] =	vst v63  }
0xc4: {  	_ =	swait.ge [sflag:s21], $0x80  }
0xc5: {  	[sflag:s21] =	ssyncset.done $0x0  }
0xc6: {  	[sflag:s21] =	ssyncadd.s32 $0xFFFFFF80  }
0xc7: {  	[tilespmem:s20], [sflag:$0x3] =	stream.indirect.gather [spmem:s2], $0x80, s22, s22, $0xb8;
	[tilespmem:$0x1C200] =	vst v63  }
0xc8: {  	_ =	swait.ge [sflag:s21], $0x4000  }
0xc9: {  	[sflag:s21] =	ssyncset.done $0x0  }
0xca: {  	[sflag:s21] =	ssyncadd.s32 $0xFFFFC000  }
0xcb: {  	[hbm4b:s13+s3] =	stream.linear.scatter [tilespmem:s20], [sflag:$0x3], $0x4000, $0x38;
	[tilespmem:$0x1C200] =	vst v63  }
0xcc: {  	_ =	swait.ge [sflag:s21], $0x4000  }
0xcd: {  	[sflag:s21] =	ssyncset.done $0x0  }
0xce: {  	[sflag:s21] =	ssyncadd.s32 $0xFFFFC000  }
0xcf: {  	[tilespmem:s22], [sflag:$0x3] =	stream.linear.gather [hbm4b:s7+s3], $0x80, $0x38;
	[tilespmem:$0x1C200] =	vst v63  }
0xd0: {  	_ =	swait.ge [sflag:s21], $0x80  }
0xd1: {  	[sflag:s21] =	ssyncset.done $0x0  }
0xd2: {  	[sflag:s21] =	ssyncadd.s32 $0xFFFFFF80  }
0xd3: {  	[tilespmem:s20], [sflag:$0x3] =	stream.indirect.gather [spmem:s2], $0x80, s22, s22, $0xb8;
	[tilespmem:$0x1C200] =	vst v63  }
0xd4: {  	_ =	swait.ge [sflag:s21], $0x4000  }
0xd5: {  	[sflag:s21] =	ssyncset.done $0x0  }
0xd6: {  	[sflag:s21] =	ssyncadd.s32 $0xFFFFC000  }
0xd7: {  	[hbm4b:s14+s3] =	stream.linear.scatter [tilespmem:s20], [sflag:$0x3], $0x4000, $0x38;
	[tilespmem:$0x1C200] =	vst v63  }
0xd8: {  	_ =	swait.ge [sflag:s21], $0x4000  }
0xd9: {  	[sflag:s21] =	ssyncset.done $0x0  }
0xda: {  	[sflag:s21] =	ssyncadd.s32 $0xFFFFC000  }
0xdb: {  	[tilespmem:s22], [sflag:$0x3] =	stream.linear.gather [hbm4b:s8+s3], $0x80, $0x38;
	[tilespmem:$0x1C200] =	vst v63  }
0xdc: {  	_ =	swait.ge [sflag:s21], $0x80  }
0xdd: {  	[sflag:s21] =	ssyncset.done $0x0  }
0xde: {  	[sflag:s21] =	ssyncadd.s32 $0xFFFFFF80  }
0xdf: {  	[tilespmem:s20], [sflag:$0x3] =	stream.indirect.gather [spmem:s2], $0x80, s22, s22, $0xb8;
	[tilespmem:$0x1C200] =	vst v63  }
0xe0: {  	_ =	swait.ge [sflag:s21], $0x4000  }
0xe1: {  	[sflag:s21] =	ssyncset.done $0x0  }
0xe2: {  	[sflag:s21] =	ssyncadd.s32 $0xFFFFC000  }
0xe3: {  	[hbm4b:s15+s3] =	stream.linear.scatter [tilespmem:s20], [sflag:$0x3], $0x4000, $0x38;
	[tilespmem:$0x1C200] =	vst v63  }
0xe4: {  	_ =	swait.ge [sflag:s21], $0x4000  }
0xe5: {  	[sflag:s21] =	ssyncset.done $0x0  }
0xe6: {  	[sflag:s21] =	ssyncadd.s32 $0xFFFFC000  }
0xe7: {  	[tilespmem:s22], [sflag:$0x3] =	stream.linear.gather [hbm4b:s9+s3], $0x80, $0x38;
	[tilespmem:$0x1C200] =	vst v63  }
0xe8: {  	_ =	swait.ge [sflag:s21], $0x80  }
0xe9: {  	[sflag:s21] =	ssyncset.done $0x0  }
0xea: {  	[sflag:s21] =	ssyncadd.s32 $0xFFFFFF80  }
0xeb: {  	[tilespmem:s20], [sflag:$0x3] =	stream.indirect.gather [spmem:s2], $0x80, s22, s22, $0xb8;
	[tilespmem:$0x1C200] =	vst v63  }
0xec: {  	_ =	swait.ge [sflag:s21], $0x4000  }
0xed: {  	[sflag:s21] =	ssyncset.done $0x0  }
0xee: {  	[sflag:s21] =	ssyncadd.s32 $0xFFFFC000  }
0xef: {  	[hbm4b:s16+s3] =	stream.linear.scatter [tilespmem:s20], [sflag:$0x3], $0x4000, $0x38;
	[tilespmem:$0x1C200] =	vst v63  }
0xf0: {  	_ =	swait.ge [sflag:s21], $0x4000  }
0xf1: {  	[sflag:s21] =	ssyncset.done $0x0  }
0xf2: {  	[sflag:s21] =	ssyncadd.s32 $0xFFFFC000  }
0xf3: {  	[tilespmem:s22], [sflag:$0x3] =	stream.linear.gather [hbm4b:s10+s3], $0x80, $0x38;
	[tilespmem:$0x1C200] =	vst v63  }
0xf4: {  	_ =	swait.ge [sflag:s21], $0x80  }
0xf5: {  	[sflag:s21] =	ssyncset.done $0x0  }
0xf6: {  	[sflag:s21] =	ssyncadd.s32 $0xFFFFFF80  }
0xf7: {  	[tilespmem:s20], [sflag:$0x3] =	stream.indirect.gather [spmem:s2], $0x80, s22, s22, $0xb8;
	[tilespmem:$0x1C200] =	vst v63  }
0xf8: {  	s29 =	sadd.s32 $0x1, s29;
	_ =	swait.ge [sflag:s21], $0x4000  }
0xf9: {  	p1 =	sne.s32 s29, s18;
	[sflag:s21] =	ssyncset.done $0x0  }
.Ltmp1:
0xfa: {  	[sflag:s21] =	ssyncadd.s32 $0xFFFFC000;
	(pc) =	sbr.rel @p1 .LBB2_1-.Ltmp1, $4  }
0xfb: {  	[hbm4b:s17+s3] =	stream.linear.scatter [tilespmem:s20], [sflag:$0x3], $0x4000, $0x38;
	[tilespmem:$0x1C200] =	vst v63  }
0xfc: {  	_ =	swait.ge [sflag:s21], $0x4000  }
0xfd: {  	[sflag:s21] =	ssyncset.done $0x0  }
0xfe: {  	[sflag:s21] =	ssyncadd.s32 $0xFFFFC000  }
0xff: {  	_ =	sfence.sel $0x180000  }
0x100: {  	[bflag:$0x0] =	sbarrier.arrive $0xFFFF  }
0x101: {  	_ =	strace $0x9000004A  }
0x102: {  	s0 =	stileid.u32;
	[bflag:$0x2] =	sbarrier.arrive $0xFFFF  }
0x103: {  	p0 =	sne.s32 s0, $0x0;
	s0 =	rddreg [dreg:$0x4]  }
0x104: {  	s0 =	sadd.s32 @!p0 $0x100000, s0  }
0x105: {  	[sflag:s0] =	ssyncadd.tile.s32 @!p0 $0x1;
	_ =	shalt  }
.Lfunc_end2:
_tile_overlayer_lowered:
.L_overlay_start_2:
0x106: {  	(tag) =	ssettag $0x2  }
0x107: {  	s0 =	rddreg [dreg:$0x0];
	s2 =	stileid.u32  }
0x108: {  	s1 =	rddreg [dreg:$0x1];
	p0 =	sne.s32 s2, $0x0  }
0x109: {  	s3 =	rddreg [dreg:$0x2];
	[bflag:$0x3] =	sbarrier.arrive $0xFFFF;
	s2 =	simm.s32 @!p0 $0x1C03  }
0x10a: {  	[timem:s3], [sflag:s2] =	dma.local @!p0 [hbm:s0], s1  }
0x10b: {  	s0 =	simm.s32 @!p0 $0x3  }
0x10c: {  	_ =	swait.ge @!p0 [sflag:s0], s1  }
0x10d: {  	s1 =	ssub.s32 @!p0 $0x0, s1;
	[sflag:s0] =	ssyncset.done @!p0 $0x0  }
0x10e: {  	[sflag:s0] =	ssyncadd.s32 @!p0 s1  }
0x10f: {  	[bflag:$0x3] =	sbarrier.arrive $0xFFFF  }
0x110: {  	_ =	shalt  }

</sc_bundles>
